<compile_context>
chip_gen: v7x
topology: tpu7x:2x2x1
jax: 0.10.2.dev20260603
libtpu: 0.0.44.dev20260713+nightly
codegen_flags: <defaults>
</compile_context>

<pallas_src>
import functools

import jax
import jax.numpy as jnp
from jax import lax
from jax.experimental import pallas as pl
from jax.experimental.pallas import tpu as pltpu
from jax.experimental.pallas import tpu_sc as plsc

N_EMB = 1024
DIM = 64
K = 3
ROWS = 16384
TILE = 1024
GRID = ROWS // TILE
COMMIT = 0.25

NW = 32
TOTAL = K * ROWS
BPW = TOTAL // NW
CHUNK = 128
NCHUNK = BPW // CHUNK


def _vq_tc_body(x_ref, emb_ref, e2_ref, idx_ref, enc_ref, loss_ref,
                perp_ref, counts_ref, lacc_ref):
    step = pl.program_id(0)

    @pl.when(step == 0)
    def _init():
        counts_ref[...] = jnp.zeros_like(counts_ref)
        lacc_ref[0] = jnp.float32(0.0)

    x = x_ref[...]
    emb = emb_ref[...]
    xe = lax.dot_general(x, emb, (((1,), (1,)), ((), ())),
                         preferred_element_type=jnp.float32,
                         precision=lax.Precision.DEFAULT)
    s = x * x
    u = s + jnp.concatenate([s[:, 1:], s[:, :1]], axis=1)
    u = u + jnp.concatenate([u[:, 2:], u[:, :2]], axis=1)
    u = u + jnp.concatenate([u[:, 4:], u[:, :4]], axis=1)
    x2 = u[:, 0:1]
    for a in range(1, 8):
        x2 = x2 + u[:, 8 * a:8 * a + 1]
    e2 = e2_ref[0:1, :]
    d = (x2 + e2) - 2.0 * xe

    col = lax.broadcasted_iota(jnp.int32, (TILE, N_EMB), 1)
    colf = col.astype(jnp.float32)
    bigf = jnp.float32(1e9)
    idxs = []
    for k in range(K):
        m = jnp.min(d, axis=1, keepdims=True)
        if k == 0:
            lacc_ref[0] += jnp.sum(m)
        ikf = jnp.min(jnp.where(d <= m, colf, bigf), axis=1)
        ik = ikf.astype(jnp.int32)
        idxs.append(ik)
        if k < K - 1:
            d = jnp.where(colf == ikf[:, None], jnp.float32(jnp.inf), d)

    row = lax.broadcasted_iota(jnp.int32, (8, TILE), 0)
    full = jnp.where(row == 0, idxs[0][None, :],
                     jnp.where(row == 1, idxs[1][None, :],
                               jnp.where(row == 2, idxs[2][None, :], 0)))
    idx_ref[...] = full

    onehot = (col == idxs[K - 1][:, None]).astype(jnp.float32)
    enc_ref[...] = onehot
    counts_ref[...] += jnp.sum(onehot, axis=0, keepdims=True)

    @pl.when(step == GRID - 1)
    def _fini():
        loss_ref[0, 0] = lacc_ref[0] * jnp.float32(COMMIT / (ROWS * DIM))
        avg = counts_ref[...] * jnp.float32(1.0 / ROWS)
        ent = jnp.sum(avg * jnp.log(avg + jnp.float32(1e-10)))
        perp_ref[0, 0] = jnp.exp(-ent)


def _topk_distances(flat_x, emb, e2b):
    return pl.pallas_call(
        _vq_tc_body,
        grid=(GRID,),
        in_specs=[
            pl.BlockSpec((TILE, DIM), lambda i: (i, 0)),
            pl.BlockSpec((N_EMB, DIM), lambda i: (0, 0)),
            pl.BlockSpec((8, N_EMB), lambda i: (0, 0)),
        ],
        out_specs=[
            pl.BlockSpec((8, TILE), lambda i: (0, i)),
            pl.BlockSpec((TILE, N_EMB), lambda i: (i, 0)),
            pl.BlockSpec(memory_space=pltpu.SMEM),
            pl.BlockSpec(memory_space=pltpu.SMEM),
        ],
        out_shape=[
            jax.ShapeDtypeStruct((8, ROWS), jnp.int32),
            jax.ShapeDtypeStruct((ROWS, N_EMB), jnp.float32),
            jax.ShapeDtypeStruct((1, 1), jnp.float32),
            jax.ShapeDtypeStruct((1, 1), jnp.float32),
        ],
        scratch_shapes=[
            pltpu.VMEM((1, N_EMB), jnp.float32),
            pltpu.SMEM((1,), jnp.float32),
        ],
    )(flat_x, emb, e2b)


def _sc_gather(emb, idx3d):
    mesh = plsc.VectorSubcoreMesh(core_axis_name="c", subcore_axis_name="s")

    @functools.partial(
        pl.kernel,
        mesh=mesh,
        out_type=jax.ShapeDtypeStruct((NW, BPW, DIM), jnp.float32),
        scratch_types=[
            pltpu.VMEM((NCHUNK, CHUNK), jnp.int32),
            pltpu.VMEM((BPW, DIM), jnp.float32),
            pltpu.SemaphoreType.DMA,
        ],
        compiler_params=pltpu.CompilerParams(use_tc_tiling_on_sc=False),
    )
    def gather(emb_hbm, idx_hbm, out_hbm, idx_v, rows_v, sem):
        wid = lax.axis_index("s") * 2 + lax.axis_index("c")
        pltpu.sync_copy(idx_hbm.at[wid], idx_v)
        copies = []
        for j in range(NCHUNK):
            copies.append(
                pltpu.async_copy(
                    emb_hbm.at[idx_v.at[j]],
                    rows_v.at[pl.ds(j * CHUNK, CHUNK)],
                    sem,
                ))
        for c in copies:
            c.wait()
        pltpu.sync_copy(rows_v, out_hbm.at[wid])

    return gather(emb, idx3d)


def kernel(inputs, embedding_weight):
    x = jnp.transpose(inputs, (0, 2, 3, 1))
    flat_x = x.reshape(ROWS, DIM)

    e2b = jnp.broadcast_to(
        jnp.sum(embedding_weight ** 2, axis=1)[None, :], (8, N_EMB))

    idx8, encodings, loss11, perp11 = _topk_distances(
        flat_x, embedding_weight, e2b)

    idx_flat = idx8[:K].reshape(NW, NCHUNK, CHUNK)
    rows = _sc_gather(embedding_weight, idx_flat)
    q = rows.reshape(K, 16, 32, 32, DIM)

    loss = loss11.reshape(())
    perplexity = perp11.reshape(())
    quantized_bchw = jnp.transpose(q[0], (0, 3, 1, 2))
    top_k_quantized = tuple(q[k] for k in range(K))

    return (loss, quantized_bchw, perplexity, encodings, top_k_quantized)

# --- scband reference (transcript-rebuilt; emitter-appended) ---
"""Pipeline reference for scband-vector-quantizer-ema-16509854286136 (READ-ONLY COPY).

The authoritative reference and input builder live on the scoring server;
editing this copy changes nothing except your own understanding.
"""

import jax, jax.numpy as jnp
import numpy as np

NUM_EMBEDDINGS = 1024
EMBEDDING_DIM = 64
COMMITMENT_COST = 0.25
TOP_K = 3


def setup_inputs(seed: int = 0) -> dict:
    key = jax.random.key(seed)
    k1, k2 = jax.random.split(key)
    inputs = jax.random.normal(k1, (16, 64, 32, 32), dtype=jnp.float32)
    embedding_weight = jax.random.normal(k2, (NUM_EMBEDDINGS, EMBEDDING_DIM), dtype=jnp.float32)
    return {"inputs": inputs, "embedding_weight": embedding_weight}


def reference(inputs, embedding_weight):
    # BCHW -> BHWC
    x = jnp.transpose(inputs, (0, 2, 3, 1))
    input_shape = x.shape
    flat_input = x.reshape(-1, EMBEDDING_DIM)

    # squared L2 distances to codebook entries
    distances = (jnp.sum(flat_input ** 2, axis=1, keepdims=True)
                 + jnp.sum(embedding_weight ** 2, axis=1)
                 - 2.0 * jnp.matmul(flat_input, embedding_weight.T))

    # top-k SMALLEST distances (torch.topk largest=False)
    _, top_k_indices = jax.lax.top_k(-distances, TOP_K)

    top_k_encodings = []
    top_k_quantized = []
    for i in range(TOP_K):
        idx = top_k_indices[:, i]
        encodings = jax.nn.one_hot(idx, NUM_EMBEDDINGS, dtype=jnp.float32)
        top_k_encodings.append(encodings)
        quantized = jnp.matmul(encodings, embedding_weight).reshape(input_shape)
        top_k_quantized.append(quantized)

    # eval mode: no EMA buffer updates
    encodings = top_k_encodings[-1]  # torch code reuses loop variable: last iteration's encodings

    e_latent_loss = jnp.mean((jax.lax.stop_gradient(top_k_quantized[0]) - x) ** 2)
    loss = COMMITMENT_COST * e_latent_loss

    quantized = x + jax.lax.stop_gradient(top_k_quantized[0] - x)
    top_k_quantized = [x + jax.lax.stop_gradient(q - x) for q in top_k_quantized]

    avg_probs = jnp.mean(encodings, axis=0)
    perplexity = jnp.exp(-jnp.sum(avg_probs * jnp.log(avg_probs + 1e-10)))

    return (loss,
            jnp.transpose(quantized, (0, 3, 1, 2)),
            perplexity,
            encodings,
            tuple(top_k_quantized))

if __name__ == "__main__":
    import jax
    _d = setup_inputs()
    print(jax.jit(kernel)(*tuple(_d.values())))

</pallas_src>

<mosaic_0001>
#map = affine_map<(d0, d1) -> (0, 0)>
#map1 = affine_map<(d0, d1) -> (0, 0, 0)>
module attributes {stable_mosaic.version = 14 : i64} {
  func.func @gather(%arg0: i32, %arg1: i32, %arg2: memref<1024x64xf32, #tpu.memory_space<hbm>>, %arg3: memref<32x12x128xi32, #tpu.memory_space<hbm>>, %arg4: memref<32x1536x64xf32, #tpu.memory_space<hbm>>, %arg5: memref<12x128xi32, #tpu.memory_space<vmem>>, %arg6: memref<1536x64xf32, #tpu.memory_space<vmem>>, %arg7: memref<!tpu.dma_semaphore, #tpu.memory_space<semaphore_mem>>) attributes {dimension_semantics = [#tpu.dimension_semantics<core_parallel>, #tpu.dimension_semantics<subcore_parallel>], iteration_bounds = array<i64: 2, 16>, scalar_prefetch = 0 : i64, scratch_operands = 3 : i64, tpu.core_type = #tpu.core_type<sc_vector_subcore>, window_params = [{transform_indices = #map}, {transform_indices = #map1}, {transform_indices = #map1}]} {
    %mul3A = arith.constant 2 : i32
    %mul3A_0 = arith.muli %arg1, %mul3A : i32
    %add3A = arith.addi %mul3A_0, %arg0 : i32
    "tpu.region"() ({
      %run_scoped3A = tpu.sem_alloc : memref<!tpu.dma_semaphore, #tpu.memory_space<semaphore_mem>>
      %dma_start3A_239 = arith.constant 0 : i32
      %dma_start3A_240 = arith.constant 0 : i32
      %dma_start3A_241 = tpu.memref_slice %arg3[%add3A, %dma_start3A_239, %dma_start3A_240] : memref<32x12x128xi32, #tpu.memory_space<hbm>> -> memref<1x12x128xi32, #tpu.memory_space<hbm>>
      %dma_start3A_242 = tpu.memref_squeeze %dma_start3A_241 : memref<1x12x128xi32, #tpu.memory_space<hbm>> -> memref<12x128xi32, #tpu.memory_space<hbm>>
      %dma_start3A_243 = arith.constant 0 : i32
      %dma_start3A_244 = arith.constant 0 : i32
      %dma_start3A_245 = tpu.memref_slice %arg3[%add3A, %dma_start3A_243, %dma_start3A_244] : memref<32x12x128xi32, #tpu.memory_space<hbm>> -> memref<1x12x128xi32, #tpu.memory_space<hbm>>
      %dma_start3A_246 = tpu.memref_squeeze %dma_start3A_245 : memref<1x12x128xi32, #tpu.memory_space<hbm>> -> memref<12x128xi32, #tpu.memory_space<hbm>>
      tpu.enqueue_dma source(%dma_start3A_246 : memref<12x128xi32, #tpu.memory_space<hbm>>) target(%arg5 : memref<12x128xi32, #tpu.memory_space<vmem>>) target_semaphore(%run_scoped3A : memref<!tpu.dma_semaphore, #tpu.memory_space<semaphore_mem>>)
      %dma_wait3A_247 = arith.constant 0 : i32
      %dma_wait3A_248 = arith.constant 0 : i32
      %dma_wait3A_249 = tpu.memref_slice %arg3[%add3A, %dma_wait3A_247, %dma_wait3A_248] : memref<32x12x128xi32, #tpu.memory_space<hbm>> -> memref<1x12x128xi32, #tpu.memory_space<hbm>>
      %dma_wait3A_250 = tpu.memref_squeeze %dma_wait3A_249 : memref<1x12x128xi32, #tpu.memory_space<hbm>> -> memref<12x128xi32, #tpu.memory_space<hbm>>
      %dma_wait3A_251 = arith.constant 0 : i32
      %dma_wait3A_252 = arith.constant 0 : i32
      %dma_wait3A_253 = tpu.memref_slice %arg3[%add3A, %dma_wait3A_251, %dma_wait3A_252] : memref<32x12x128xi32, #tpu.memory_space<hbm>> -> memref<1x12x128xi32, #tpu.memory_space<hbm>>
      %dma_wait3A_254 = tpu.memref_squeeze %dma_wait3A_253 : memref<1x12x128xi32, #tpu.memory_space<hbm>> -> memref<12x128xi32, #tpu.memory_space<hbm>>
      tpu.wait_dma2 semaphore(%run_scoped3A : memref<!tpu.dma_semaphore, #tpu.memory_space<semaphore_mem>>) src(%dma_wait3A_254 : memref<12x128xi32, #tpu.memory_space<hbm>>) dst(%arg5 : memref<12x128xi32, #tpu.memory_space<vmem>>)
      tpu.yield
    }) : () -> ()
    %dma_start3A = arith.constant 0 : i32
    %dma_start3A_1 = arith.constant 0 : i32
    %dma_start3A_2 = arith.constant 0 : i32
    %dma_start3A_3 = tpu.memref_slice %arg6[%dma_start3A_1, %dma_start3A_2] : memref<1536x64xf32, #tpu.memory_space<vmem>> -> memref<128x64xf32, #tpu.memory_space<vmem>>
    %dma_start3A_4 = arith.constant 0 : i32
    %dma_start3A_5 = tpu.memref_slice %arg5[%dma_start3A, %dma_start3A_4] : memref<12x128xi32, #tpu.memory_space<vmem>> -> memref<1x128xi32, #tpu.memory_space<vmem>>
    %dma_start3A_6 = tpu.memref_squeeze %dma_start3A_5 : memref<1x128xi32, #tpu.memory_space<vmem>> -> memref<128xi32, #tpu.memory_space<vmem>>
    %dma_start3A_7 = arith.constant 0 : i32
    %dma_start3A_8 = arith.constant 0 : i32
    %dma_start3A_9 = tpu.memref_slice %arg2[%dma_start3A_7, %dma_start3A_8] : memref<1024x64xf32, #tpu.memory_space<hbm>> -> memref<1024x64xf32, #tpu.memory_space<hbm>>
    tpu.enqueue_indirect_dma source(%dma_start3A_9 : memref<1024x64xf32, #tpu.memory_space<hbm>>) target(%dma_start3A_3 : memref<128x64xf32, #tpu.memory_space<vmem>>) offsets(%dma_start3A_6 : memref<128xi32, #tpu.memory_space<vmem>>) semaphore(%arg7 : memref<!tpu.dma_semaphore, #tpu.memory_space<semaphore_mem>>)
    %dma_start3A_10 = arith.constant 1 : i32
    %dma_start3A_11 = arith.constant 128 : i32
    %dma_start3A_12 = arith.constant 0 : i32
    %dma_start3A_13 = tpu.memref_slice %arg6[%dma_start3A_11, %dma_start3A_12] : memref<1536x64xf32, #tpu.memory_space<vmem>> -> memref<128x64xf32, #tpu.memory_space<vmem>>
    %dma_start3A_14 = arith.constant 0 : i32
    %dma_start3A_15 = tpu.memref_slice %arg5[%dma_start3A_10, %dma_start3A_14] : memref<12x128xi32, #tpu.memory_space<vmem>> -> memref<1x128xi32, #tpu.memory_space<vmem>>
    %dma_start3A_16 = tpu.memref_squeeze %dma_start3A_15 : memref<1x128xi32, #tpu.memory_space<vmem>> -> memref<128xi32, #tpu.memory_space<vmem>>
    %dma_start3A_17 = arith.constant 0 : i32
    %dma_start3A_18 = arith.constant 0 : i32
    %dma_start3A_19 = tpu.memref_slice %arg2[%dma_start3A_17, %dma_start3A_18] : memref<1024x64xf32, #tpu.memory_space<hbm>> -> memref<1024x64xf32, #tpu.memory_space<hbm>>
    tpu.enqueue_indirect_dma source(%dma_start3A_19 : memref<1024x64xf32, #tpu.memory_space<hbm>>) target(%dma_start3A_13 : memref<128x64xf32, #tpu.memory_space<vmem>>) offsets(%dma_start3A_16 : memref<128xi32, #tpu.memory_space<vmem>>) semaphore(%arg7 : memref<!tpu.dma_semaphore, #tpu.memory_space<semaphore_mem>>)
    %dma_start3A_20 = arith.constant 2 : i32
    %dma_start3A_21 = arith.constant 256 : i32
    %dma_start3A_22 = arith.constant 0 : i32
    %dma_start3A_23 = tpu.memref_slice %arg6[%dma_start3A_21, %dma_start3A_22] : memref<1536x64xf32, #tpu.memory_space<vmem>> -> memref<128x64xf32, #tpu.memory_space<vmem>>
    %dma_start3A_24 = arith.constant 0 : i32
    %dma_start3A_25 = tpu.memref_slice %arg5[%dma_start3A_20, %dma_start3A_24] : memref<12x128xi32, #tpu.memory_space<vmem>> -> memref<1x128xi32, #tpu.memory_space<vmem>>
    %dma_start3A_26 = tpu.memref_squeeze %dma_start3A_25 : memref<1x128xi32, #tpu.memory_space<vmem>> -> memref<128xi32, #tpu.memory_space<vmem>>
    %dma_start3A_27 = arith.constant 0 : i32
    %dma_start3A_28 = arith.constant 0 : i32
    %dma_start3A_29 = tpu.memref_slice %arg2[%dma_start3A_27, %dma_start3A_28] : memref<1024x64xf32, #tpu.memory_space<hbm>> -> memref<1024x64xf32, #tpu.memory_space<hbm>>
    tpu.enqueue_indirect_dma source(%dma_start3A_29 : memref<1024x64xf32, #tpu.memory_space<hbm>>) target(%dma_start3A_23 : memref<128x64xf32, #tpu.memory_space<vmem>>) offsets(%dma_start3A_26 : memref<128xi32, #tpu.memory_space<vmem>>) semaphore(%arg7 : memref<!tpu.dma_semaphore, #tpu.memory_space<semaphore_mem>>)
    %dma_start3A_30 = arith.constant 3 : i32
    %dma_start3A_31 = arith.constant 384 : i32
    %dma_start3A_32 = arith.constant 0 : i32
    %dma_start3A_33 = tpu.memref_slice %arg6[%dma_start3A_31, %dma_start3A_32] : memref<1536x64xf32, #tpu.memory_space<vmem>> -> memref<128x64xf32, #tpu.memory_space<vmem>>
    %dma_start3A_34 = arith.constant 0 : i32
    %dma_start3A_35 = tpu.memref_slice %arg5[%dma_start3A_30, %dma_start3A_34] : memref<12x128xi32, #tpu.memory_space<vmem>> -> memref<1x128xi32, #tpu.memory_space<vmem>>
    %dma_start3A_36 = tpu.memref_squeeze %dma_start3A_35 : memref<1x128xi32, #tpu.memory_space<vmem>> -> memref<128xi32, #tpu.memory_space<vmem>>
    %dma_start3A_37 = arith.constant 0 : i32
    %dma_start3A_38 = arith.constant 0 : i32
    %dma_start3A_39 = tpu.memref_slice %arg2[%dma_start3A_37, %dma_start3A_38] : memref<1024x64xf32, #tpu.memory_space<hbm>> -> memref<1024x64xf32, #tpu.memory_space<hbm>>
    tpu.enqueue_indirect_dma source(%dma_start3A_39 : memref<1024x64xf32, #tpu.memory_space<hbm>>) target(%dma_start3A_33 : memref<128x64xf32, #tpu.memory_space<vmem>>) offsets(%dma_start3A_36 : memref<128xi32, #tpu.memory_space<vmem>>) semaphore(%arg7 : memref<!tpu.dma_semaphore, #tpu.memory_space<semaphore_mem>>)
    %dma_start3A_40 = arith.constant 4 : i32
    %dma_start3A_41 = arith.constant 512 : i32
    %dma_start3A_42 = arith.constant 0 : i32
    %dma_start3A_43 = tpu.memref_slice %arg6[%dma_start3A_41, %dma_start3A_42] : memref<1536x64xf32, #tpu.memory_space<vmem>> -> memref<128x64xf32, #tpu.memory_space<vmem>>
    %dma_start3A_44 = arith.constant 0 : i32
    %dma_start3A_45 = tpu.memref_slice %arg5[%dma_start3A_40, %dma_start3A_44] : memref<12x128xi32, #tpu.memory_space<vmem>> -> memref<1x128xi32, #tpu.memory_space<vmem>>
    %dma_start3A_46 = tpu.memref_squeeze %dma_start3A_45 : memref<1x128xi32, #tpu.memory_space<vmem>> -> memref<128xi32, #tpu.memory_space<vmem>>
    %dma_start3A_47 = arith.constant 0 : i32
    %dma_start3A_48 = arith.constant 0 : i32
    %dma_start3A_49 = tpu.memref_slice %arg2[%dma_start3A_47, %dma_start3A_48] : memref<1024x64xf32, #tpu.memory_space<hbm>> -> memref<1024x64xf32, #tpu.memory_space<hbm>>
    tpu.enqueue_indirect_dma source(%dma_start3A_49 : memref<1024x64xf32, #tpu.memory_space<hbm>>) target(%dma_start3A_43 : memref<128x64xf32, #tpu.memory_space<vmem>>) offsets(%dma_start3A_46 : memref<128xi32, #tpu.memory_space<vmem>>) semaphore(%arg7 : memref<!tpu.dma_semaphore, #tpu.memory_space<semaphore_mem>>)
    %dma_start3A_50 = arith.constant 5 : i32
    %dma_start3A_51 = arith.constant 640 : i32
    %dma_start3A_52 = arith.constant 0 : i32
    %dma_start3A_53 = tpu.memref_slice %arg6[%dma_start3A_51, %dma_start3A_52] : memref<1536x64xf32, #tpu.memory_space<vmem>> -> memref<128x64xf32, #tpu.memory_space<vmem>>
    %dma_start3A_54 = arith.constant 0 : i32
    %dma_start3A_55 = tpu.memref_slice %arg5[%dma_start3A_50, %dma_start3A_54] : memref<12x128xi32, #tpu.memory_space<vmem>> -> memref<1x128xi32, #tpu.memory_space<vmem>>
    %dma_start3A_56 = tpu.memref_squeeze %dma_start3A_55 : memref<1x128xi32, #tpu.memory_space<vmem>> -> memref<128xi32, #tpu.memory_space<vmem>>
    %dma_start3A_57 = arith.constant 0 : i32
    %dma_start3A_58 = arith.constant 0 : i32
    %dma_start3A_59 = tpu.memref_slice %arg2[%dma_start3A_57, %dma_start3A_58] : memref<1024x64xf32, #tpu.memory_space<hbm>> -> memref<1024x64xf32, #tpu.memory_space<hbm>>
    tpu.enqueue_indirect_dma source(%dma_start3A_59 : memref<1024x64xf32, #tpu.memory_space<hbm>>) target(%dma_start3A_53 : memref<128x64xf32, #tpu.memory_space<vmem>>) offsets(%dma_start3A_56 : memref<128xi32, #tpu.memory_space<vmem>>) semaphore(%arg7 : memref<!tpu.dma_semaphore, #tpu.memory_space<semaphore_mem>>)
    %dma_start3A_60 = arith.constant 6 : i32
    %dma_start3A_61 = arith.constant 768 : i32
    %dma_start3A_62 = arith.constant 0 : i32
    %dma_start3A_63 = tpu.memref_slice %arg6[%dma_start3A_61, %dma_start3A_62] : memref<1536x64xf32, #tpu.memory_space<vmem>> -> memref<128x64xf32, #tpu.memory_space<vmem>>
    %dma_start3A_64 = arith.constant 0 : i32
    %dma_start3A_65 = tpu.memref_slice %arg5[%dma_start3A_60, %dma_start3A_64] : memref<12x128xi32, #tpu.memory_space<vmem>> -> memref<1x128xi32, #tpu.memory_space<vmem>>
    %dma_start3A_66 = tpu.memref_squeeze %dma_start3A_65 : memref<1x128xi32, #tpu.memory_space<vmem>> -> memref<128xi32, #tpu.memory_space<vmem>>
    %dma_start3A_67 = arith.constant 0 : i32
    %dma_start3A_68 = arith.constant 0 : i32
    %dma_start3A_69 = tpu.memref_slice %arg2[%dma_start3A_67, %dma_start3A_68] : memref<1024x64xf32, #tpu.memory_space<hbm>> -> memref<1024x64xf32, #tpu.memory_space<hbm>>
    tpu.enqueue_indirect_dma source(%dma_start3A_69 : memref<1024x64xf32, #tpu.memory_space<hbm>>) target(%dma_start3A_63 : memref<128x64xf32, #tpu.memory_space<vmem>>) offsets(%dma_start3A_66 : memref<128xi32, #tpu.memory_space<vmem>>) semaphore(%arg7 : memref<!tpu.dma_semaphore, #tpu.memory_space<semaphore_mem>>)
    %dma_start3A_70 = arith.constant 7 : i32
    %dma_start3A_71 = arith.constant 896 : i32
    %dma_start3A_72 = arith.constant 0 : i32
    %dma_start3A_73 = tpu.memref_slice %arg6[%dma_start3A_71, %dma_start3A_72] : memref<1536x64xf32, #tpu.memory_space<vmem>> -> memref<128x64xf32, #tpu.memory_space<vmem>>
    %dma_start3A_74 = arith.constant 0 : i32
    %dma_start3A_75 = tpu.memref_slice %arg5[%dma_start3A_70, %dma_start3A_74] : memref<12x128xi32, #tpu.memory_space<vmem>> -> memref<1x128xi32, #tpu.memory_space<vmem>>
    %dma_start3A_76 = tpu.memref_squeeze %dma_start3A_75 : memref<1x128xi32, #tpu.memory_space<vmem>> -> memref<128xi32, #tpu.memory_space<vmem>>
    %dma_start3A_77 = arith.constant 0 : i32
    %dma_start3A_78 = arith.constant 0 : i32
    %dma_start3A_79 = tpu.memref_slice %arg2[%dma_start3A_77, %dma_start3A_78] : memref<1024x64xf32, #tpu.memory_space<hbm>> -> memref<1024x64xf32, #tpu.memory_space<hbm>>
    tpu.enqueue_indirect_dma source(%dma_start3A_79 : memref<1024x64xf32, #tpu.memory_space<hbm>>) target(%dma_start3A_73 : memref<128x64xf32, #tpu.memory_space<vmem>>) offsets(%dma_start3A_76 : memref<128xi32, #tpu.memory_space<vmem>>) semaphore(%arg7 : memref<!tpu.dma_semaphore, #tpu.memory_space<semaphore_mem>>)
    %dma_start3A_80 = arith.constant 8 : i32
    %dma_start3A_81 = arith.constant 1024 : i32
    %dma_start3A_82 = arith.constant 0 : i32
    %dma_start3A_83 = tpu.memref_slice %arg6[%dma_start3A_81, %dma_start3A_82] : memref<1536x64xf32, #tpu.memory_space<vmem>> -> memref<128x64xf32, #tpu.memory_space<vmem>>
    %dma_start3A_84 = arith.constant 0 : i32
    %dma_start3A_85 = tpu.memref_slice %arg5[%dma_start3A_80, %dma_start3A_84] : memref<12x128xi32, #tpu.memory_space<vmem>> -> memref<1x128xi32, #tpu.memory_space<vmem>>
    %dma_start3A_86 = tpu.memref_squeeze %dma_start3A_85 : memref<1x128xi32, #tpu.memory_space<vmem>> -> memref<128xi32, #tpu.memory_space<vmem>>
    %dma_start3A_87 = arith.constant 0 : i32
    %dma_start3A_88 = arith.constant 0 : i32
    %dma_start3A_89 = tpu.memref_slice %arg2[%dma_start3A_87, %dma_start3A_88] : memref<1024x64xf32, #tpu.memory_space<hbm>> -> memref<1024x64xf32, #tpu.memory_space<hbm>>
    tpu.enqueue_indirect_dma source(%dma_start3A_89 : memref<1024x64xf32, #tpu.memory_space<hbm>>) target(%dma_start3A_83 : memref<128x64xf32, #tpu.memory_space<vmem>>) offsets(%dma_start3A_86 : memref<128xi32, #tpu.memory_space<vmem>>) semaphore(%arg7 : memref<!tpu.dma_semaphore, #tpu.memory_space<semaphore_mem>>)
    %dma_start3A_90 = arith.constant 9 : i32
    %dma_start3A_91 = arith.constant 1152 : i32
    %dma_start3A_92 = arith.constant 0 : i32
    %dma_start3A_93 = tpu.memref_slice %arg6[%dma_start3A_91, %dma_start3A_92] : memref<1536x64xf32, #tpu.memory_space<vmem>> -> memref<128x64xf32, #tpu.memory_space<vmem>>
    %dma_start3A_94 = arith.constant 0 : i32
    %dma_start3A_95 = tpu.memref_slice %arg5[%dma_start3A_90, %dma_start3A_94] : memref<12x128xi32, #tpu.memory_space<vmem>> -> memref<1x128xi32, #tpu.memory_space<vmem>>
    %dma_start3A_96 = tpu.memref_squeeze %dma_start3A_95 : memref<1x128xi32, #tpu.memory_space<vmem>> -> memref<128xi32, #tpu.memory_space<vmem>>
    %dma_start3A_97 = arith.constant 0 : i32
    %dma_start3A_98 = arith.constant 0 : i32
    %dma_start3A_99 = tpu.memref_slice %arg2[%dma_start3A_97, %dma_start3A_98] : memref<1024x64xf32, #tpu.memory_space<hbm>> -> memref<1024x64xf32, #tpu.memory_space<hbm>>
    tpu.enqueue_indirect_dma source(%dma_start3A_99 : memref<1024x64xf32, #tpu.memory_space<hbm>>) target(%dma_start3A_93 : memref<128x64xf32, #tpu.memory_space<vmem>>) offsets(%dma_start3A_96 : memref<128xi32, #tpu.memory_space<vmem>>) semaphore(%arg7 : memref<!tpu.dma_semaphore, #tpu.memory_space<semaphore_mem>>)
    %dma_start3A_100 = arith.constant 10 : i32
    %dma_start3A_101 = arith.constant 1280 : i32
    %dma_start3A_102 = arith.constant 0 : i32
    %dma_start3A_103 = tpu.memref_slice %arg6[%dma_start3A_101, %dma_start3A_102] : memref<1536x64xf32, #tpu.memory_space<vmem>> -> memref<128x64xf32, #tpu.memory_space<vmem>>
    %dma_start3A_104 = arith.constant 0 : i32
    %dma_start3A_105 = tpu.memref_slice %arg5[%dma_start3A_100, %dma_start3A_104] : memref<12x128xi32, #tpu.memory_space<vmem>> -> memref<1x128xi32, #tpu.memory_space<vmem>>
    %dma_start3A_106 = tpu.memref_squeeze %dma_start3A_105 : memref<1x128xi32, #tpu.memory_space<vmem>> -> memref<128xi32, #tpu.memory_space<vmem>>
    %dma_start3A_107 = arith.constant 0 : i32
    %dma_start3A_108 = arith.constant 0 : i32
    %dma_start3A_109 = tpu.memref_slice %arg2[%dma_start3A_107, %dma_start3A_108] : memref<1024x64xf32, #tpu.memory_space<hbm>> -> memref<1024x64xf32, #tpu.memory_space<hbm>>
    tpu.enqueue_indirect_dma source(%dma_start3A_109 : memref<1024x64xf32, #tpu.memory_space<hbm>>) target(%dma_start3A_103 : memref<128x64xf32, #tpu.memory_space<vmem>>) offsets(%dma_start3A_106 : memref<128xi32, #tpu.memory_space<vmem>>) semaphore(%arg7 : memref<!tpu.dma_semaphore, #tpu.memory_space<semaphore_mem>>)
    %dma_start3A_110 = arith.constant 11 : i32
    %dma_start3A_111 = arith.constant 1408 : i32
    %dma_start3A_112 = arith.constant 0 : i32
    %dma_start3A_113 = tpu.memref_slice %arg6[%dma_start3A_111, %dma_start3A_112] : memref<1536x64xf32, #tpu.memory_space<vmem>> -> memref<128x64xf32, #tpu.memory_space<vmem>>
    %dma_start3A_114 = arith.constant 0 : i32
    %dma_start3A_115 = tpu.memref_slice %arg5[%dma_start3A_110, %dma_start3A_114] : memref<12x128xi32, #tpu.memory_space<vmem>> -> memref<1x128xi32, #tpu.memory_space<vmem>>
    %dma_start3A_116 = tpu.memref_squeeze %dma_start3A_115 : memref<1x128xi32, #tpu.memory_space<vmem>> -> memref<128xi32, #tpu.memory_space<vmem>>
    %dma_start3A_117 = arith.constant 0 : i32
    %dma_start3A_118 = arith.constant 0 : i32
    %dma_start3A_119 = tpu.memref_slice %arg2[%dma_start3A_117, %dma_start3A_118] : memref<1024x64xf32, #tpu.memory_space<hbm>> -> memref<1024x64xf32, #tpu.memory_space<hbm>>
    tpu.enqueue_indirect_dma source(%dma_start3A_119 : memref<1024x64xf32, #tpu.memory_space<hbm>>) target(%dma_start3A_113 : memref<128x64xf32, #tpu.memory_space<vmem>>) offsets(%dma_start3A_116 : memref<128xi32, #tpu.memory_space<vmem>>) semaphore(%arg7 : memref<!tpu.dma_semaphore, #tpu.memory_space<semaphore_mem>>)
    %dma_wait3A = arith.constant 0 : i32
    %dma_wait3A_120 = arith.constant 0 : i32
    %dma_wait3A_121 = arith.constant 0 : i32
    %dma_wait3A_122 = tpu.memref_slice %arg6[%dma_wait3A_120, %dma_wait3A_121] : memref<1536x64xf32, #tpu.memory_space<vmem>> -> memref<128x64xf32, #tpu.memory_space<vmem>>
    %dma_wait3A_123 = arith.constant 0 : i32
    %dma_wait3A_124 = tpu.memref_slice %arg5[%dma_wait3A, %dma_wait3A_123] : memref<12x128xi32, #tpu.memory_space<vmem>> -> memref<1x128xi32, #tpu.memory_space<vmem>>
    %dma_wait3A_125 = tpu.memref_squeeze %dma_wait3A_124 : memref<1x128xi32, #tpu.memory_space<vmem>> -> memref<128xi32, #tpu.memory_space<vmem>>
    %dma_wait3A_126 = arith.constant 0 : i32
    %dma_wait3A_127 = arith.constant 0 : i32
    %dma_wait3A_128 = tpu.memref_slice %arg2[%dma_wait3A_126, %dma_wait3A_127] : memref<1024x64xf32, #tpu.memory_space<hbm>> -> memref<1024x64xf32, #tpu.memory_space<hbm>>
    tpu.wait_indirect_dma semaphore(%arg7 : memref<!tpu.dma_semaphore, #tpu.memory_space<semaphore_mem>>) src(%dma_wait3A_128 : memref<1024x64xf32, #tpu.memory_space<hbm>>) dst(%dma_wait3A_122 : memref<128x64xf32, #tpu.memory_space<vmem>>)
    %dma_wait3A_129 = arith.constant 1 : i32
    %dma_wait3A_130 = arith.constant 128 : i32
    %dma_wait3A_131 = arith.constant 0 : i32
    %dma_wait3A_132 = tpu.memref_slice %arg6[%dma_wait3A_130, %dma_wait3A_131] : memref<1536x64xf32, #tpu.memory_space<vmem>> -> memref<128x64xf32, #tpu.memory_space<vmem>>
    %dma_wait3A_133 = arith.constant 0 : i32
    %dma_wait3A_134 = tpu.memref_slice %arg5[%dma_wait3A_129, %dma_wait3A_133] : memref<12x128xi32, #tpu.memory_space<vmem>> -> memref<1x128xi32, #tpu.memory_space<vmem>>
    %dma_wait3A_135 = tpu.memref_squeeze %dma_wait3A_134 : memref<1x128xi32, #tpu.memory_space<vmem>> -> memref<128xi32, #tpu.memory_space<vmem>>
    %dma_wait3A_136 = arith.constant 0 : i32
    %dma_wait3A_137 = arith.constant 0 : i32
    %dma_wait3A_138 = tpu.memref_slice %arg2[%dma_wait3A_136, %dma_wait3A_137] : memref<1024x64xf32, #tpu.memory_space<hbm>> -> memref<1024x64xf32, #tpu.memory_space<hbm>>
    tpu.wait_indirect_dma semaphore(%arg7 : memref<!tpu.dma_semaphore, #tpu.memory_space<semaphore_mem>>) src(%dma_wait3A_138 : memref<1024x64xf32, #tpu.memory_space<hbm>>) dst(%dma_wait3A_132 : memref<128x64xf32, #tpu.memory_space<vmem>>)
    %dma_wait3A_139 = arith.constant 2 : i32
    %dma_wait3A_140 = arith.constant 256 : i32
    %dma_wait3A_141 = arith.constant 0 : i32
    %dma_wait3A_142 = tpu.memref_slice %arg6[%dma_wait3A_140, %dma_wait3A_141] : memref<1536x64xf32, #tpu.memory_space<vmem>> -> memref<128x64xf32, #tpu.memory_space<vmem>>
    %dma_wait3A_143 = arith.constant 0 : i32
    %dma_wait3A_144 = tpu.memref_slice %arg5[%dma_wait3A_139, %dma_wait3A_143] : memref<12x128xi32, #tpu.memory_space<vmem>> -> memref<1x128xi32, #tpu.memory_space<vmem>>
    %dma_wait3A_145 = tpu.memref_squeeze %dma_wait3A_144 : memref<1x128xi32, #tpu.memory_space<vmem>> -> memref<128xi32, #tpu.memory_space<vmem>>
    %dma_wait3A_146 = arith.constant 0 : i32
    %dma_wait3A_147 = arith.constant 0 : i32
    %dma_wait3A_148 = tpu.memref_slice %arg2[%dma_wait3A_146, %dma_wait3A_147] : memref<1024x64xf32, #tpu.memory_space<hbm>> -> memref<1024x64xf32, #tpu.memory_space<hbm>>
    tpu.wait_indirect_dma semaphore(%arg7 : memref<!tpu.dma_semaphore, #tpu.memory_space<semaphore_mem>>) src(%dma_wait3A_148 : memref<1024x64xf32, #tpu.memory_space<hbm>>) dst(%dma_wait3A_142 : memref<128x64xf32, #tpu.memory_space<vmem>>)
    %dma_wait3A_149 = arith.constant 3 : i32
    %dma_wait3A_150 = arith.constant 384 : i32
    %dma_wait3A_151 = arith.constant 0 : i32
    %dma_wait3A_152 = tpu.memref_slice %arg6[%dma_wait3A_150, %dma_wait3A_151] : memref<1536x64xf32, #tpu.memory_space<vmem>> -> memref<128x64xf32, #tpu.memory_space<vmem>>
    %dma_wait3A_153 = arith.constant 0 : i32
    %dma_wait3A_154 = tpu.memref_slice %arg5[%dma_wait3A_149, %dma_wait3A_153] : memref<12x128xi32, #tpu.memory_space<vmem>> -> memref<1x128xi32, #tpu.memory_space<vmem>>
    %dma_wait3A_155 = tpu.memref_squeeze %dma_wait3A_154 : memref<1x128xi32, #tpu.memory_space<vmem>> -> memref<128xi32, #tpu.memory_space<vmem>>
    %dma_wait3A_156 = arith.constant 0 : i32
    %dma_wait3A_157 = arith.constant 0 : i32
    %dma_wait3A_158 = tpu.memref_slice %arg2[%dma_wait3A_156, %dma_wait3A_157] : memref<1024x64xf32, #tpu.memory_space<hbm>> -> memref<1024x64xf32, #tpu.memory_space<hbm>>
    tpu.wait_indirect_dma semaphore(%arg7 : memref<!tpu.dma_semaphore, #tpu.memory_space<semaphore_mem>>) src(%dma_wait3A_158 : memref<1024x64xf32, #tpu.memory_space<hbm>>) dst(%dma_wait3A_152 : memref<128x64xf32, #tpu.memory_space<vmem>>)
    %dma_wait3A_159 = arith.constant 4 : i32
    %dma_wait3A_160 = arith.constant 512 : i32
    %dma_wait3A_161 = arith.constant 0 : i32
    %dma_wait3A_162 = tpu.memref_slice %arg6[%dma_wait3A_160, %dma_wait3A_161] : memref<1536x64xf32, #tpu.memory_space<vmem>> -> memref<128x64xf32, #tpu.memory_space<vmem>>
    %dma_wait3A_163 = arith.constant 0 : i32
    %dma_wait3A_164 = tpu.memref_slice %arg5[%dma_wait3A_159, %dma_wait3A_163] : memref<12x128xi32, #tpu.memory_space<vmem>> -> memref<1x128xi32, #tpu.memory_space<vmem>>
    %dma_wait3A_165 = tpu.memref_squeeze %dma_wait3A_164 : memref<1x128xi32, #tpu.memory_space<vmem>> -> memref<128xi32, #tpu.memory_space<vmem>>
    %dma_wait3A_166 = arith.constant 0 : i32
    %dma_wait3A_167 = arith.constant 0 : i32
    %dma_wait3A_168 = tpu.memref_slice %arg2[%dma_wait3A_166, %dma_wait3A_167] : memref<1024x64xf32, #tpu.memory_space<hbm>> -> memref<1024x64xf32, #tpu.memory_space<hbm>>
    tpu.wait_indirect_dma semaphore(%arg7 : memref<!tpu.dma_semaphore, #tpu.memory_space<semaphore_mem>>) src(%dma_wait3A_168 : memref<1024x64xf32, #tpu.memory_space<hbm>>) dst(%dma_wait3A_162 : memref<128x64xf32, #tpu.memory_space<vmem>>)
    %dma_wait3A_169 = arith.constant 5 : i32
    %dma_wait3A_170 = arith.constant 640 : i32
    %dma_wait3A_171 = arith.constant 0 : i32
    %dma_wait3A_172 = tpu.memref_slice %arg6[%dma_wait3A_170, %dma_wait3A_171] : memref<1536x64xf32, #tpu.memory_space<vmem>> -> memref<128x64xf32, #tpu.memory_space<vmem>>
    %dma_wait3A_173 = arith.constant 0 : i32
    %dma_wait3A_174 = tpu.memref_slice %arg5[%dma_wait3A_169, %dma_wait3A_173] : memref<12x128xi32, #tpu.memory_space<vmem>> -> memref<1x128xi32, #tpu.memory_space<vmem>>
    %dma_wait3A_175 = tpu.memref_squeeze %dma_wait3A_174 : memref<1x128xi32, #tpu.memory_space<vmem>> -> memref<128xi32, #tpu.memory_space<vmem>>
    %dma_wait3A_176 = arith.constant 0 : i32
    %dma_wait3A_177 = arith.constant 0 : i32
    %dma_wait3A_178 = tpu.memref_slice %arg2[%dma_wait3A_176, %dma_wait3A_177] : memref<1024x64xf32, #tpu.memory_space<hbm>> -> memref<1024x64xf32, #tpu.memory_space<hbm>>
    tpu.wait_indirect_dma semaphore(%arg7 : memref<!tpu.dma_semaphore, #tpu.memory_space<semaphore_mem>>) src(%dma_wait3A_178 : memref<1024x64xf32, #tpu.memory_space<hbm>>) dst(%dma_wait3A_172 : memref<128x64xf32, #tpu.memory_space<vmem>>)
    %dma_wait3A_179 = arith.constant 6 : i32
    %dma_wait3A_180 = arith.constant 768 : i32
    %dma_wait3A_181 = arith.constant 0 : i32
    %dma_wait3A_182 = tpu.memref_slice %arg6[%dma_wait3A_180, %dma_wait3A_181] : memref<1536x64xf32, #tpu.memory_space<vmem>> -> memref<128x64xf32, #tpu.memory_space<vmem>>
    %dma_wait3A_183 = arith.constant 0 : i32
    %dma_wait3A_184 = tpu.memref_slice %arg5[%dma_wait3A_179, %dma_wait3A_183] : memref<12x128xi32, #tpu.memory_space<vmem>> -> memref<1x128xi32, #tpu.memory_space<vmem>>
    %dma_wait3A_185 = tpu.memref_squeeze %dma_wait3A_184 : memref<1x128xi32, #tpu.memory_space<vmem>> -> memref<128xi32, #tpu.memory_space<vmem>>
    %dma_wait3A_186 = arith.constant 0 : i32
    %dma_wait3A_187 = arith.constant 0 : i32
    %dma_wait3A_188 = tpu.memref_slice %arg2[%dma_wait3A_186, %dma_wait3A_187] : memref<1024x64xf32, #tpu.memory_space<hbm>> -> memref<1024x64xf32, #tpu.memory_space<hbm>>
    tpu.wait_indirect_dma semaphore(%arg7 : memref<!tpu.dma_semaphore, #tpu.memory_space<semaphore_mem>>) src(%dma_wait3A_188 : memref<1024x64xf32, #tpu.memory_space<hbm>>) dst(%dma_wait3A_182 : memref<128x64xf32, #tpu.memory_space<vmem>>)
    %dma_wait3A_189 = arith.constant 7 : i32
    %dma_wait3A_190 = arith.constant 896 : i32
    %dma_wait3A_191 = arith.constant 0 : i32
    %dma_wait3A_192 = tpu.memref_slice %arg6[%dma_wait3A_190, %dma_wait3A_191] : memref<1536x64xf32, #tpu.memory_space<vmem>> -> memref<128x64xf32, #tpu.memory_space<vmem>>
    %dma_wait3A_193 = arith.constant 0 : i32
    %dma_wait3A_194 = tpu.memref_slice %arg5[%dma_wait3A_189, %dma_wait3A_193] : memref<12x128xi32, #tpu.memory_space<vmem>> -> memref<1x128xi32, #tpu.memory_space<vmem>>
    %dma_wait3A_195 = tpu.memref_squeeze %dma_wait3A_194 : memref<1x128xi32, #tpu.memory_space<vmem>> -> memref<128xi32, #tpu.memory_space<vmem>>
    %dma_wait3A_196 = arith.constant 0 : i32
    %dma_wait3A_197 = arith.constant 0 : i32
    %dma_wait3A_198 = tpu.memref_slice %arg2[%dma_wait3A_196, %dma_wait3A_197] : memref<1024x64xf32, #tpu.memory_space<hbm>> -> memref<1024x64xf32, #tpu.memory_space<hbm>>
    tpu.wait_indirect_dma semaphore(%arg7 : memref<!tpu.dma_semaphore, #tpu.memory_space<semaphore_mem>>) src(%dma_wait3A_198 : memref<1024x64xf32, #tpu.memory_space<hbm>>) dst(%dma_wait3A_192 : memref<128x64xf32, #tpu.memory_space<vmem>>)
    %dma_wait3A_199 = arith.constant 8 : i32
    %dma_wait3A_200 = arith.constant 1024 : i32
    %dma_wait3A_201 = arith.constant 0 : i32
    %dma_wait3A_202 = tpu.memref_slice %arg6[%dma_wait3A_200, %dma_wait3A_201] : memref<1536x64xf32, #tpu.memory_space<vmem>> -> memref<128x64xf32, #tpu.memory_space<vmem>>
    %dma_wait3A_203 = arith.constant 0 : i32
    %dma_wait3A_204 = tpu.memref_slice %arg5[%dma_wait3A_199, %dma_wait3A_203] : memref<12x128xi32, #tpu.memory_space<vmem>> -> memref<1x128xi32, #tpu.memory_space<vmem>>
    %dma_wait3A_205 = tpu.memref_squeeze %dma_wait3A_204 : memref<1x128xi32, #tpu.memory_space<vmem>> -> memref<128xi32, #tpu.memory_space<vmem>>
    %dma_wait3A_206 = arith.constant 0 : i32
    %dma_wait3A_207 = arith.constant 0 : i32
    %dma_wait3A_208 = tpu.memref_slice %arg2[%dma_wait3A_206, %dma_wait3A_207] : memref<1024x64xf32, #tpu.memory_space<hbm>> -> memref<1024x64xf32, #tpu.memory_space<hbm>>
    tpu.wait_indirect_dma semaphore(%arg7 : memref<!tpu.dma_semaphore, #tpu.memory_space<semaphore_mem>>) src(%dma_wait3A_208 : memref<1024x64xf32, #tpu.memory_space<hbm>>) dst(%dma_wait3A_202 : memref<128x64xf32, #tpu.memory_space<vmem>>)
    %dma_wait3A_209 = arith.constant 9 : i32
    %dma_wait3A_210 = arith.constant 1152 : i32
    %dma_wait3A_211 = arith.constant 0 : i32
    %dma_wait3A_212 = tpu.memref_slice %arg6[%dma_wait3A_210, %dma_wait3A_211] : memref<1536x64xf32, #tpu.memory_space<vmem>> -> memref<128x64xf32, #tpu.memory_space<vmem>>
    %dma_wait3A_213 = arith.constant 0 : i32
    %dma_wait3A_214 = tpu.memref_slice %arg5[%dma_wait3A_209, %dma_wait3A_213] : memref<12x128xi32, #tpu.memory_space<vmem>> -> memref<1x128xi32, #tpu.memory_space<vmem>>
    %dma_wait3A_215 = tpu.memref_squeeze %dma_wait3A_214 : memref<1x128xi32, #tpu.memory_space<vmem>> -> memref<128xi32, #tpu.memory_space<vmem>>
    %dma_wait3A_216 = arith.constant 0 : i32
    %dma_wait3A_217 = arith.constant 0 : i32
    %dma_wait3A_218 = tpu.memref_slice %arg2[%dma_wait3A_216, %dma_wait3A_217] : memref<1024x64xf32, #tpu.memory_space<hbm>> -> memref<1024x64xf32, #tpu.memory_space<hbm>>
    tpu.wait_indirect_dma semaphore(%arg7 : memref<!tpu.dma_semaphore, #tpu.memory_space<semaphore_mem>>) src(%dma_wait3A_218 : memref<1024x64xf32, #tpu.memory_space<hbm>>) dst(%dma_wait3A_212 : memref<128x64xf32, #tpu.memory_space<vmem>>)
    %dma_wait3A_219 = arith.constant 10 : i32
    %dma_wait3A_220 = arith.constant 1280 : i32
    %dma_wait3A_221 = arith.constant 0 : i32
    %dma_wait3A_222 = tpu.memref_slice %arg6[%dma_wait3A_220, %dma_wait3A_221] : memref<1536x64xf32, #tpu.memory_space<vmem>> -> memref<128x64xf32, #tpu.memory_space<vmem>>
    %dma_wait3A_223 = arith.constant 0 : i32
    %dma_wait3A_224 = tpu.memref_slice %arg5[%dma_wait3A_219, %dma_wait3A_223] : memref<12x128xi32, #tpu.memory_space<vmem>> -> memref<1x128xi32, #tpu.memory_space<vmem>>
    %dma_wait3A_225 = tpu.memref_squeeze %dma_wait3A_224 : memref<1x128xi32, #tpu.memory_space<vmem>> -> memref<128xi32, #tpu.memory_space<vmem>>
    %dma_wait3A_226 = arith.constant 0 : i32
    %dma_wait3A_227 = arith.constant 0 : i32
    %dma_wait3A_228 = tpu.memref_slice %arg2[%dma_wait3A_226, %dma_wait3A_227] : memref<1024x64xf32, #tpu.memory_space<hbm>> -> memref<1024x64xf32, #tpu.memory_space<hbm>>
    tpu.wait_indirect_dma semaphore(%arg7 : memref<!tpu.dma_semaphore, #tpu.memory_space<semaphore_mem>>) src(%dma_wait3A_228 : memref<1024x64xf32, #tpu.memory_space<hbm>>) dst(%dma_wait3A_222 : memref<128x64xf32, #tpu.memory_space<vmem>>)
    %dma_wait3A_229 = arith.constant 11 : i32
    %dma_wait3A_230 = arith.constant 1408 : i32
    %dma_wait3A_231 = arith.constant 0 : i32
    %dma_wait3A_232 = tpu.memref_slice %arg6[%dma_wait3A_230, %dma_wait3A_231] : memref<1536x64xf32, #tpu.memory_space<vmem>> -> memref<128x64xf32, #tpu.memory_space<vmem>>
    %dma_wait3A_233 = arith.constant 0 : i32
    %dma_wait3A_234 = tpu.memref_slice %arg5[%dma_wait3A_229, %dma_wait3A_233] : memref<12x128xi32, #tpu.memory_space<vmem>> -> memref<1x128xi32, #tpu.memory_space<vmem>>
    %dma_wait3A_235 = tpu.memref_squeeze %dma_wait3A_234 : memref<1x128xi32, #tpu.memory_space<vmem>> -> memref<128xi32, #tpu.memory_space<vmem>>
    %dma_wait3A_236 = arith.constant 0 : i32
    %dma_wait3A_237 = arith.constant 0 : i32
    %dma_wait3A_238 = tpu.memref_slice %arg2[%dma_wait3A_236, %dma_wait3A_237] : memref<1024x64xf32, #tpu.memory_space<hbm>> -> memref<1024x64xf32, #tpu.memory_space<hbm>>
    tpu.wait_indirect_dma semaphore(%arg7 : memref<!tpu.dma_semaphore, #tpu.memory_space<semaphore_mem>>) src(%dma_wait3A_238 : memref<1024x64xf32, #tpu.memory_space<hbm>>) dst(%dma_wait3A_232 : memref<128x64xf32, #tpu.memory_space<vmem>>)
    "tpu.region"() ({
      %run_scoped3A = tpu.sem_alloc : memref<!tpu.dma_semaphore, #tpu.memory_space<semaphore_mem>>
      %dma_start3A_239 = arith.constant 0 : i32
      %dma_start3A_240 = arith.constant 0 : i32
      %dma_start3A_241 = tpu.memref_slice %arg4[%add3A, %dma_start3A_239, %dma_start3A_240] : memref<32x1536x64xf32, #tpu.memory_space<hbm>> -> memref<1x1536x64xf32, #tpu.memory_space<hbm>>
      %dma_start3A_242 = tpu.memref_squeeze %dma_start3A_241 : memref<1x1536x64xf32, #tpu.memory_space<hbm>> -> memref<1536x64xf32, #tpu.memory_space<hbm>>
      %dma_start3A_243 = arith.constant 0 : i32
      %dma_start3A_244 = arith.constant 0 : i32
      %dma_start3A_245 = tpu.memref_slice %arg4[%add3A, %dma_start3A_243, %dma_start3A_244] : memref<32x1536x64xf32, #tpu.memory_space<hbm>> -> memref<1x1536x64xf32, #tpu.memory_space<hbm>>
      %dma_start3A_246 = tpu.memref_squeeze %dma_start3A_245 : memref<1x1536x64xf32, #tpu.memory_space<hbm>> -> memref<1536x64xf32, #tpu.memory_space<hbm>>
      tpu.enqueue_dma source(%arg6 : memref<1536x64xf32, #tpu.memory_space<vmem>>) target(%dma_start3A_246 : memref<1536x64xf32, #tpu.memory_space<hbm>>) target_semaphore(%run_scoped3A : memref<!tpu.dma_semaphore, #tpu.memory_space<semaphore_mem>>)
      %dma_wait3A_247 = arith.constant 0 : i32
      %dma_wait3A_248 = arith.constant 0 : i32
      %dma_wait3A_249 = tpu.memref_slice %arg4[%add3A, %dma_wait3A_247, %dma_wait3A_248] : memref<32x1536x64xf32, #tpu.memory_space<hbm>> -> memref<1x1536x64xf32, #tpu.memory_space<hbm>>
      %dma_wait3A_250 = tpu.memref_squeeze %dma_wait3A_249 : memref<1x1536x64xf32, #tpu.memory_space<hbm>> -> memref<1536x64xf32, #tpu.memory_space<hbm>>
      %dma_wait3A_251 = arith.constant 0 : i32
      %dma_wait3A_252 = arith.constant 0 : i32
      %dma_wait3A_253 = tpu.memref_slice %arg4[%add3A, %dma_wait3A_251, %dma_wait3A_252] : memref<32x1536x64xf32, #tpu.memory_space<hbm>> -> memref<1x1536x64xf32, #tpu.memory_space<hbm>>
      %dma_wait3A_254 = tpu.memref_squeeze %dma_wait3A_253 : memref<1x1536x64xf32, #tpu.memory_space<hbm>> -> memref<1536x64xf32, #tpu.memory_space<hbm>>
      tpu.wait_dma2 semaphore(%run_scoped3A : memref<!tpu.dma_semaphore, #tpu.memory_space<semaphore_mem>>) src(%arg6 : memref<1536x64xf32, #tpu.memory_space<vmem>>) dst(%dma_wait3A_254 : memref<1536x64xf32, #tpu.memory_space<hbm>>)
      tpu.yield
    }) : () -> ()
    return
  }
}

module attributes {stable_mosaic.version = 14 : i64} {
  func.func @_vq_tc_body(%arg0: i32, %arg1: memref<1024x64xf32, #tpu.memory_space<vmem>>, %arg2: memref<1024x64xf32, #tpu.memory_space<vmem>>, %arg3: memref<8x1024xf32, #tpu.memory_space<vmem>>, %arg4: memref<8x1024xi32, #tpu.memory_space<vmem>>, %arg5: memref<1024x1024xf32, #tpu.memory_space<vmem>>, %arg6: memref<1x1xf32, #tpu.memory_space<smem>>, %arg7: memref<1x1xf32, #tpu.memory_space<smem>>, %arg8: memref<1x1024xf32, #tpu.memory_space<vmem>>, %arg9: memref<1xf32, #tpu.memory_space<smem>>) attributes {dimension_semantics = [#tpu.dimension_semantics<arbitrary>], iteration_bounds = array<i64: 16>, scalar_prefetch = 0 : i64, scratch_operands = 2 : i64, tpu.core_type = #tpu.core_type<tc>, window_params = [{transform_indices = @transform_0, window_bounds = array<i64: 1024, 64>}, {pipeline_mode = #tpu.pipeline_mode<synchronous>, transform_indices = @transform_1, window_bounds = array<i64: 1024, 64>}, {pipeline_mode = #tpu.pipeline_mode<synchronous>, transform_indices = @transform_2, window_bounds = array<i64: 8, 1024>}, {transform_indices = @transform_3, window_bounds = array<i64: 8, 1024>}, {transform_indices = @transform_4, window_bounds = array<i64: 1024, 1024>}, {transform_indices = @transform_5, window_bounds = array<i64: 1, 1>}, {transform_indices = @transform_6, window_bounds = array<i64: 1, 1>}]} {
    %eq3A = arith.constant 0 : i32
    %eq3A_0 = arith.cmpi eq, %arg0, %eq3A : i32
    %convert_element_type3A = arith.extui %eq3A_0 : i1 to i32
    %cond3A = arith.constant 0 : i32
    %cond3A_1 = arith.cmpi ne, %convert_element_type3A, %cond3A : i32
    scf.if %cond3A_1 {
      %broadcast_in_dim3A_140 = arith.constant 0.000000e+00 : f32
      %broadcast_in_dim3A_141 = vector.broadcast %broadcast_in_dim3A_140 : f32 to vector<1x1024xf32>
      %swap3A_142 = arith.constant 0 : index
      %swap3A_143 = arith.constant 0 : index
      %swap3A_144 = vector.load %arg8[%swap3A_142, %swap3A_143] : memref<1x1024xf32, #tpu.memory_space<vmem>>, vector<1x1024xf32>
      tpu.vector_store %arg8[%swap3A_142, %swap3A_143], %broadcast_in_dim3A_141 {strides = array<i32>} : memref<1x1024xf32, #tpu.memory_space<vmem>>, vector<1x1024xf32>,
      %swap3A_145 = arith.constant 0.000000e+00 : f32
      %swap3A_146 = arith.constant 0 : index
      %swap3A_147 = memref.load %arg9[%swap3A_146] : memref<1xf32, #tpu.memory_space<smem>>
      memref.store %swap3A_145, %arg9[%swap3A_146] : memref<1xf32, #tpu.memory_space<smem>>
    } else {
    }
    %get3A = arith.constant 0 : index
    %get3A_2 = arith.constant 0 : index
    %get3A_3 = vector.load %arg1[%get3A, %get3A_2] : memref<1024x64xf32, #tpu.memory_space<vmem>>, vector<1024x64xf32>
    %get3A_4 = arith.constant 0 : index
    %get3A_5 = arith.constant 0 : index
    %get3A_6 = vector.load %arg2[%get3A_4, %get3A_5] : memref<1024x64xf32, #tpu.memory_space<vmem>>, vector<1024x64xf32>
    %dot_general3A = arith.constant dense<0.000000e+00> : vector<1024x1024xf32>
    %dot_general3A_7 = tpu.matmul %get3A_3, %get3A_6, %dot_general3A {dimension_numbers = #tpu.dot_dimension_numbers<[1], [1], [0], [0], [0, 0, 1, 0], [], []>, transpose_lhs_hint = false} : vector<1024x64xf32>, vector<1024x64xf32>, vector<1024x1024xf32> -> vector<1024x1024xf32>
    %mul3A = arith.mulf %get3A_3, %get3A_3 : vector<1024x64xf32>
    %slice3A = vector.extract_strided_slice %mul3A {offsets = [0, 1], sizes = [1024, 63], strides = [1, 1]} : vector<1024x64xf32> to vector<1024x63xf32>
    %slice3A_8 = vector.extract_strided_slice %mul3A {offsets = [0, 0], sizes = [1024, 1], strides = [1, 1]} : vector<1024x64xf32> to vector<1024x1xf32>
    %concatenate3A = tpu.concatenate %slice3A, %slice3A_8 in 1 : vector<1024x63xf32>, vector<1024x1xf32> -> vector<1024x64xf32>
    %add3A = arith.addf %mul3A, %concatenate3A : vector<1024x64xf32>
    %slice3A_9 = vector.extract_strided_slice %add3A {offsets = [0, 2], sizes = [1024, 62], strides = [1, 1]} : vector<1024x64xf32> to vector<1024x62xf32>
    %slice3A_10 = vector.extract_strided_slice %add3A {offsets = [0, 0], sizes = [1024, 2], strides = [1, 1]} : vector<1024x64xf32> to vector<1024x2xf32>
    %concatenate3A_11 = tpu.concatenate %slice3A_9, %slice3A_10 in 1 : vector<1024x62xf32>, vector<1024x2xf32> -> vector<1024x64xf32>
    %add3A_12 = arith.addf %add3A, %concatenate3A_11 : vector<1024x64xf32>
    %slice3A_13 = vector.extract_strided_slice %add3A_12 {offsets = [0, 4], sizes = [1024, 60], strides = [1, 1]} : vector<1024x64xf32> to vector<1024x60xf32>
    %slice3A_14 = vector.extract_strided_slice %add3A_12 {offsets = [0, 0], sizes = [1024, 4], strides = [1, 1]} : vector<1024x64xf32> to vector<1024x4xf32>
    %concatenate3A_15 = tpu.concatenate %slice3A_13, %slice3A_14 in 1 : vector<1024x60xf32>, vector<1024x4xf32> -> vector<1024x64xf32>
    %add3A_16 = arith.addf %add3A_12, %concatenate3A_15 : vector<1024x64xf32>
    %slice3A_17 = vector.extract_strided_slice %add3A_16 {offsets = [0, 0], sizes = [1024, 1], strides = [1, 1]} : vector<1024x64xf32> to vector<1024x1xf32>
    %slice3A_18 = vector.extract_strided_slice %add3A_16 {offsets = [0, 8], sizes = [1024, 1], strides = [1, 1]} : vector<1024x64xf32> to vector<1024x1xf32>
    %add3A_19 = arith.addf %slice3A_17, %slice3A_18 : vector<1024x1xf32>
    %slice3A_20 = vector.extract_strided_slice %add3A_16 {offsets = [0, 16], sizes = [1024, 1], strides = [1, 1]} : vector<1024x64xf32> to vector<1024x1xf32>
    %add3A_21 = arith.addf %add3A_19, %slice3A_20 : vector<1024x1xf32>
    %slice3A_22 = vector.extract_strided_slice %add3A_16 {offsets = [0, 24], sizes = [1024, 1], strides = [1, 1]} : vector<1024x64xf32> to vector<1024x1xf32>
    %add3A_23 = arith.addf %add3A_21, %slice3A_22 : vector<1024x1xf32>
    %slice3A_24 = vector.extract_strided_slice %add3A_16 {offsets = [0, 32], sizes = [1024, 1], strides = [1, 1]} : vector<1024x64xf32> to vector<1024x1xf32>
    %add3A_25 = arith.addf %add3A_23, %slice3A_24 : vector<1024x1xf32>
    %slice3A_26 = vector.extract_strided_slice %add3A_16 {offsets = [0, 40], sizes = [1024, 1], strides = [1, 1]} : vector<1024x64xf32> to vector<1024x1xf32>
    %add3A_27 = arith.addf %add3A_25, %slice3A_26 : vector<1024x1xf32>
    %slice3A_28 = vector.extract_strided_slice %add3A_16 {offsets = [0, 48], sizes = [1024, 1], strides = [1, 1]} : vector<1024x64xf32> to vector<1024x1xf32>
    %add3A_29 = arith.addf %add3A_27, %slice3A_28 : vector<1024x1xf32>
    %slice3A_30 = vector.extract_strided_slice %add3A_16 {offsets = [0, 56], sizes = [1024, 1], strides = [1, 1]} : vector<1024x64xf32> to vector<1024x1xf32>
    %add3A_31 = arith.addf %add3A_29, %slice3A_30 : vector<1024x1xf32>
    %get3A_32 = arith.constant 0 : index
    %get3A_33 = arith.constant 0 : index
    %get3A_34 = vector.load %arg3[%get3A_32, %get3A_33] : memref<8x1024xf32, #tpu.memory_space<vmem>>, vector<1x1024xf32>
    %add3A_35 = vector.broadcast %add3A_31 : vector<1024x1xf32> to vector<1024x1024xf32>
    %add3A_36 = vector.broadcast %get3A_34 : vector<1x1024xf32> to vector<1024x1024xf32>
    %add3A_37 = arith.addf %add3A_35, %add3A_36 : vector<1024x1024xf32>
    %mul3A_38 = arith.constant 2.000000e+00 : f32
    %mul3A_39 = vector.broadcast %mul3A_38 : f32 to vector<1024x1024xf32>
    %mul3A_40 = arith.mulf %mul3A_39, %dot_general3A_7 : vector<1024x1024xf32>
    %sub3A = arith.subf %add3A_37, %mul3A_40 : vector<1024x1024xf32>
    %iota3A = tpu.iota {dimensions = array<i32: 1>} : vector<1024x1024xi32>
    %convert_element_type3A_41 = arith.sitofp %iota3A : vector<1024x1024xi32> to vector<1024x1024xf32>
    %reduce_min3A = arith.constant dense<0x7F800000> : vector<1024xf32>
    %reduce_min3A_42 = vector.multi_reduction <minimumf>, %sub3A, %reduce_min3A [1] : vector<1024x1024xf32> to vector<1024xf32>
    %broadcast_in_dim3A = vector.shape_cast %reduce_min3A_42 : vector<1024xf32> to vector<1024x1xf32>
    %get3A_43 = arith.constant 0 : index
    %get3A_44 = memref.load %arg9[%get3A_43] : memref<1xf32, #tpu.memory_space<smem>>
    %reduce_sum3A = vector.shape_cast %broadcast_in_dim3A : vector<1024x1xf32> to vector<1x1024x1xf32>
    %reduce_sum3A_45 = arith.constant dense<0.000000e+00> : vector<1xf32>
    %reduce_sum3A_46 = vector.multi_reduction <add>, %reduce_sum3A, %reduce_sum3A_45 [1, 2] : vector<1x1024x1xf32> to vector<1xf32>
    %reduce_sum3A_47 = vector.shape_cast %reduce_sum3A_46 : vector<1xf32> to vector<1x1x1xf32>
    %reduce_sum3A_48 = vector.extract %reduce_sum3A_47[0, 0, 0] : f32 from vector<1x1x1xf32>
    %add3A_49 = arith.addf %get3A_44, %reduce_sum3A_48 : f32
    %swap3A = arith.constant 0 : index
    %swap3A_50 = memref.load %arg9[%swap3A] : memref<1xf32, #tpu.memory_space<smem>>
    memref.store %add3A_49, %arg9[%swap3A] : memref<1xf32, #tpu.memory_space<smem>>
    %le3A = vector.broadcast %broadcast_in_dim3A : vector<1024x1xf32> to vector<1024x1024xf32>
    %le3A_51 = arith.cmpf ole, %sub3A, %le3A : vector<1024x1024xf32>
    %jit3A = arith.constant 1.000000e+09 : f32
    %broadcast_in_dim3A_52 = vector.broadcast %jit3A : f32 to vector<1024x1024xf32>
    %select_n3A = arith.select %le3A_51, %convert_element_type3A_41, %broadcast_in_dim3A_52 : vector<1024x1024xi1>, vector<1024x1024xf32>
    %reduce_min3A_53 = arith.constant dense<0x7F800000> : vector<1024xf32>
    %reduce_min3A_54 = vector.multi_reduction <minimumf>, %select_n3A, %reduce_min3A_53 [1] : vector<1024x1024xf32> to vector<1024xf32>
    %convert_element_type3A_55 = arith.fptosi %reduce_min3A_54 : vector<1024xf32> to vector<1024xi32>
    %broadcast_in_dim3A_56 = vector.shape_cast %reduce_min3A_54 : vector<1024xf32> to vector<1024x1xf32>
    %eq3A_57 = vector.broadcast %broadcast_in_dim3A_56 : vector<1024x1xf32> to vector<1024x1024xf32>
    %eq3A_58 = arith.cmpf oeq, %convert_element_type3A_41, %eq3A_57 : vector<1024x1024xf32>
    %jit3A_59 = arith.constant 0x7F800000 : f32
    %broadcast_in_dim3A_60 = vector.broadcast %jit3A_59 : f32 to vector<1024x1024xf32>
    %select_n3A_61 = arith.select %eq3A_58, %broadcast_in_dim3A_60, %sub3A : vector<1024x1024xi1>, vector<1024x1024xf32>
    %reduce_min3A_62 = arith.constant dense<0x7F800000> : vector<1024xf32>
    %reduce_min3A_63 = vector.multi_reduction <minimumf>, %select_n3A_61, %reduce_min3A_62 [1] : vector<1024x1024xf32> to vector<1024xf32>
    %broadcast_in_dim3A_64 = vector.shape_cast %reduce_min3A_63 : vector<1024xf32> to vector<1024x1xf32>
    %le3A_65 = vector.broadcast %broadcast_in_dim3A_64 : vector<1024x1xf32> to vector<1024x1024xf32>
    %le3A_66 = arith.cmpf ole, %select_n3A_61, %le3A_65 : vector<1024x1024xf32>
    %jit3A_67 = arith.constant 1.000000e+09 : f32
    %broadcast_in_dim3A_68 = vector.broadcast %jit3A_67 : f32 to vector<1024x1024xf32>
    %select_n3A_69 = arith.select %le3A_66, %convert_element_type3A_41, %broadcast_in_dim3A_68 : vector<1024x1024xi1>, vector<1024x1024xf32>
    %reduce_min3A_70 = arith.constant dense<0x7F800000> : vector<1024xf32>
    %reduce_min3A_71 = vector.multi_reduction <minimumf>, %select_n3A_69, %reduce_min3A_70 [1] : vector<1024x1024xf32> to vector<1024xf32>
    %convert_element_type3A_72 = arith.fptosi %reduce_min3A_71 : vector<1024xf32> to vector<1024xi32>
    %broadcast_in_dim3A_73 = vector.shape_cast %reduce_min3A_71 : vector<1024xf32> to vector<1024x1xf32>
    %eq3A_74 = vector.broadcast %broadcast_in_dim3A_73 : vector<1024x1xf32> to vector<1024x1024xf32>
    %eq3A_75 = arith.cmpf oeq, %convert_element_type3A_41, %eq3A_74 : vector<1024x1024xf32>
    %jit3A_76 = arith.constant 0x7F800000 : f32
    %broadcast_in_dim3A_77 = vector.broadcast %jit3A_76 : f32 to vector<1024x1024xf32>
    %select_n3A_78 = arith.select %eq3A_75, %broadcast_in_dim3A_77, %select_n3A_61 : vector<1024x1024xi1>, vector<1024x1024xf32>
    %reduce_min3A_79 = arith.constant dense<0x7F800000> : vector<1024xf32>
    %reduce_min3A_80 = vector.multi_reduction <minimumf>, %select_n3A_78, %reduce_min3A_79 [1] : vector<1024x1024xf32> to vector<1024xf32>
    %broadcast_in_dim3A_81 = vector.shape_cast %reduce_min3A_80 : vector<1024xf32> to vector<1024x1xf32>
    %le3A_82 = vector.broadcast %broadcast_in_dim3A_81 : vector<1024x1xf32> to vector<1024x1024xf32>
    %le3A_83 = arith.cmpf ole, %select_n3A_78, %le3A_82 : vector<1024x1024xf32>
    %jit3A_84 = arith.constant 1.000000e+09 : f32
    %broadcast_in_dim3A_85 = vector.broadcast %jit3A_84 : f32 to vector<1024x1024xf32>
    %select_n3A_86 = arith.select %le3A_83, %convert_element_type3A_41, %broadcast_in_dim3A_85 : vector<1024x1024xi1>, vector<1024x1024xf32>
    %reduce_min3A_87 = arith.constant dense<0x7F800000> : vector<1024xf32>
    %reduce_min3A_88 = vector.multi_reduction <minimumf>, %select_n3A_86, %reduce_min3A_87 [1] : vector<1024x1024xf32> to vector<1024xf32>
    %convert_element_type3A_89 = arith.fptosi %reduce_min3A_88 : vector<1024xf32> to vector<1024xi32>
    %iota3A_90 = tpu.iota {dimensions = array<i32: 0>} : vector<8x1024xi32>
    %eq3A_91 = arith.constant 0 : i32
    %eq3A_92 = vector.broadcast %eq3A_91 : i32 to vector<8x1024xi32>
    %eq3A_93 = arith.cmpi eq, %iota3A_90, %eq3A_92 : vector<8x1024xi32>
    %broadcast_in_dim3A_94 = vector.shape_cast %convert_element_type3A_55 : vector<1024xi32> to vector<1x1024xi32>
    %eq3A_95 = arith.constant 1 : i32
    %eq3A_96 = vector.broadcast %eq3A_95 : i32 to vector<8x1024xi32>
    %eq3A_97 = arith.cmpi eq, %iota3A_90, %eq3A_96 : vector<8x1024xi32>
    %broadcast_in_dim3A_98 = vector.shape_cast %convert_element_type3A_72 : vector<1024xi32> to vector<1x1024xi32>
    %eq3A_99 = arith.constant 2 : i32
    %eq3A_100 = vector.broadcast %eq3A_99 : i32 to vector<8x1024xi32>
    %eq3A_101 = arith.cmpi eq, %iota3A_90, %eq3A_100 : vector<8x1024xi32>
    %broadcast_in_dim3A_102 = vector.shape_cast %convert_element_type3A_89 : vector<1024xi32> to vector<1x1024xi32>
    %jit3A_103 = arith.constant 0 : i32
    %broadcast_in_dim3A_104 = vector.shape_cast %broadcast_in_dim3A_102 : vector<1x1024xi32> to vector<1x1024xi32>
    %broadcast_in_dim3A_105 = vector.broadcast %broadcast_in_dim3A_104 : vector<1x1024xi32> to vector<8x1024xi32>
    %broadcast_in_dim3A_106 = vector.broadcast %jit3A_103 : i32 to vector<8x1024xi32>
    %select_n3A_107 = arith.select %eq3A_101, %broadcast_in_dim3A_105, %broadcast_in_dim3A_106 : vector<8x1024xi1>, vector<8x1024xi32>
    %broadcast_in_dim3A_108 = vector.shape_cast %broadcast_in_dim3A_98 : vector<1x1024xi32> to vector<1x1024xi32>
    %broadcast_in_dim3A_109 = vector.broadcast %broadcast_in_dim3A_108 : vector<1x1024xi32> to vector<8x1024xi32>
    %select_n3A_110 = arith.select %eq3A_97, %broadcast_in_dim3A_109, %select_n3A_107 : vector<8x1024xi1>, vector<8x1024xi32>
    %broadcast_in_dim3A_111 = vector.shape_cast %broadcast_in_dim3A_94 : vector<1x1024xi32> to vector<1x1024xi32>
    %broadcast_in_dim3A_112 = vector.broadcast %broadcast_in_dim3A_111 : vector<1x1024xi32> to vector<8x1024xi32>
    %select_n3A_113 = arith.select %eq3A_93, %broadcast_in_dim3A_112, %select_n3A_110 : vector<8x1024xi1>, vector<8x1024xi32>
    %swap3A_114 = arith.constant 0 : index
    %swap3A_115 = arith.constant 0 : index
    %swap3A_116 = vector.load %arg4[%swap3A_114, %swap3A_115] : memref<8x1024xi32, #tpu.memory_space<vmem>>, vector<8x1024xi32>
    tpu.vector_store %arg4[%swap3A_114, %swap3A_115], %select_n3A_113 {strides = array<i32>} : memref<8x1024xi32, #tpu.memory_space<vmem>>, vector<8x1024xi32>,
    %broadcast_in_dim3A_117 = vector.shape_cast %convert_element_type3A_89 : vector<1024xi32> to vector<1024x1xi32>
    %eq3A_118 = vector.broadcast %broadcast_in_dim3A_117 : vector<1024x1xi32> to vector<1024x1024xi32>
    %eq3A_119 = arith.cmpi eq, %iota3A, %eq3A_118 : vector<1024x1024xi32>
    %convert_element_type3A_120 = arith.extui %eq3A_119 : vector<1024x1024xi1> to vector<1024x1024xi32>
    %convert_element_type3A_121 = arith.sitofp %convert_element_type3A_120 : vector<1024x1024xi32> to vector<1024x1024xf32>
    %swap3A_122 = arith.constant 0 : index
    %swap3A_123 = arith.constant 0 : index
    %swap3A_124 = vector.load %arg5[%swap3A_122, %swap3A_123] : memref<1024x1024xf32, #tpu.memory_space<vmem>>, vector<1024x1024xf32>
    tpu.vector_store %arg5[%swap3A_122, %swap3A_123], %convert_element_type3A_121 {strides = array<i32>} : memref<1024x1024xf32, #tpu.memory_space<vmem>>, vector<1024x1024xf32>,
    %get3A_125 = arith.constant 0 : index
    %get3A_126 = arith.constant 0 : index
    %get3A_127 = vector.load %arg8[%get3A_125, %get3A_126] : memref<1x1024xf32, #tpu.memory_space<vmem>>, vector<1x1024xf32>
    %reduce_sum3A_128 = arith.constant dense<0.000000e+00> : vector<1024xf32>
    %reduce_sum3A_129 = vector.multi_reduction <add>, %convert_element_type3A_121, %reduce_sum3A_128 [0] : vector<1024x1024xf32> to vector<1024xf32>
    %broadcast_in_dim3A_130 = vector.shape_cast %reduce_sum3A_129 : vector<1024xf32> to vector<1x1024xf32>
    %add3A_131 = arith.addf %get3A_127, %broadcast_in_dim3A_130 : vector<1x1024xf32>
    %swap3A_132 = arith.constant 0 : index
    %swap3A_133 = arith.constant 0 : index
    %swap3A_134 = vector.load %arg8[%swap3A_132, %swap3A_133] : memref<1x1024xf32, #tpu.memory_space<vmem>>, vector<1x1024xf32>
    tpu.vector_store %arg8[%swap3A_132, %swap3A_133], %add3A_131 {strides = array<i32>} : memref<1x1024xf32, #tpu.memory_space<vmem>>, vector<1x1024xf32>,
    %eq3A_135 = arith.constant 15 : i32
    %eq3A_136 = arith.cmpi eq, %arg0, %eq3A_135 : i32
    %convert_element_type3A_137 = arith.extui %eq3A_136 : i1 to i32
    %cond3A_138 = arith.constant 0 : i32
    %cond3A_139 = arith.cmpi ne, %convert_element_type3A_137, %cond3A_138 : i32
    scf.if %cond3A_139 {
      %get3A_140 = arith.constant 0 : index
      %get3A_141 = memref.load %arg9[%get3A_140] : memref<1xf32, #tpu.memory_space<smem>>
      %mul3A_142 = arith.constant 2.38418579E-7 : f32
      %mul3A_143 = arith.mulf %get3A_141, %mul3A_142 : f32
      %swap3A_144 = arith.constant 0 : index
      %swap3A_145 = arith.constant 0 : index
      %swap3A_146 = memref.load %arg6[%swap3A_144, %swap3A_145] : memref<1x1xf32, #tpu.memory_space<smem>>
      memref.store %mul3A_143, %arg6[%swap3A_144, %swap3A_145] : memref<1x1xf32, #tpu.memory_space<smem>>
      %get3A_147 = arith.constant 0 : index
      %get3A_148 = arith.constant 0 : index
      %get3A_149 = vector.load %arg8[%get3A_147, %get3A_148] : memref<1x1024xf32, #tpu.memory_space<vmem>>, vector<1x1024xf32>
      %mul3A_150 = arith.constant 6.10351563E-5 : f32
      %mul3A_151 = vector.broadcast %mul3A_150 : f32 to vector<1x1024xf32>
      %mul3A_152 = arith.mulf %get3A_149, %mul3A_151 : vector<1x1024xf32>
      %add3A_153 = arith.constant 1.000000e-10 : f32
      %add3A_154 = vector.broadcast %add3A_153 : f32 to vector<1x1024xf32>
      %add3A_155 = arith.addf %mul3A_152, %add3A_154 : vector<1x1024xf32>
      %log3A = math.log %add3A_155 : vector<1x1024xf32>
      %mul3A_156 = arith.mulf %mul3A_152, %log3A : vector<1x1024xf32>
      %reduce_sum3A_157 = vector.shape_cast %mul3A_156 : vector<1x1024xf32> to vector<1x1x1024xf32>
      %reduce_sum3A_158 = arith.constant dense<0.000000e+00> : vector<1xf32>
      %reduce_sum3A_159 = vector.multi_reduction <add>, %reduce_sum3A_157, %reduce_sum3A_158 [1, 2] : vector<1x1x1024xf32> to vector<1xf32>
      %reduce_sum3A_160 = vector.shape_cast %reduce_sum3A_159 : vector<1xf32> to vector<1x1x1xf32>
      %reduce_sum3A_161 = vector.extract %reduce_sum3A_160[0, 0, 0] : f32 from vector<1x1x1xf32>
      %neg3A = arith.constant 0.000000e+00 : f32
      %neg3A_162 = arith.subf %neg3A, %reduce_sum3A_161 : f32
      %exp3A = math.exp %neg3A_162 : f32
      %swap3A_163 = arith.constant 0 : index
      %swap3A_164 = arith.constant 0 : index
      %swap3A_165 = memref.load %arg7[%swap3A_163, %swap3A_164] : memref<1x1xf32, #tpu.memory_space<smem>>
      memref.store %exp3A, %arg7[%swap3A_163, %swap3A_164] : memref<1x1xf32, #tpu.memory_space<smem>>
    } else {
    }
    return
  }
  func.func @transform_0(%arg0: i32) -> (i32, i32) {
    %c0_i32 = arith.constant 0 : i32
    %c0_i32_0 = arith.constant 0 : i32
    return %arg0, %c0_i32 : i32, i32
  }
  func.func @transform_1(%arg0: i32) -> (i32, i32) {
    %c0_i32 = arith.constant 0 : i32
    %c0_i32_0 = arith.constant 0 : i32
    %c0_i32_1 = arith.constant 0 : i32
    return %c0_i32, %c0_i32_0 : i32, i32
  }
  func.func @transform_2(%arg0: i32) -> (i32, i32) {
    %c0_i32 = arith.constant 0 : i32
    %c0_i32_0 = arith.constant 0 : i32
    %c0_i32_1 = arith.constant 0 : i32
    return %c0_i32, %c0_i32_0 : i32, i32
  }
  func.func @transform_3(%arg0: i32) -> (i32, i32) {
    %c0_i32 = arith.constant 0 : i32
    %c0_i32_0 = arith.constant 0 : i32
    return %c0_i32, %arg0 : i32, i32
  }
  func.func @transform_4(%arg0: i32) -> (i32, i32) {
    %c0_i32 = arith.constant 0 : i32
    %c0_i32_0 = arith.constant 0 : i32
    return %arg0, %c0_i32 : i32, i32
  }
  func.func @transform_5(%arg0: i32) -> (i32, i32) {
    %c0_i32 = arith.constant 0 : i32
    %c0_i32_0 = arith.constant 0 : i32
    %c0_i32_1 = arith.constant 0 : i32
    return %c0_i32, %c0_i32_0 : i32, i32
  }
  func.func @transform_6(%arg0: i32) -> (i32, i32) {
    %c0_i32 = arith.constant 0 : i32
    %c0_i32_0 = arith.constant 0 : i32
    %c0_i32_1 = arith.constant 0 : i32
    return %c0_i32, %c0_i32_0 : i32, i32
  }
}

</mosaic_0001>

<sc_bundles>
// kernel: kernel.4.cloned.1.call-start
scs
__scs_entry_jumppad:
0x0: {  	(pc) =	sbr.rel $0x88, $3  }
0x1: {  	(tag) =	ssettag $0x0;
	lr =	simm.s32 $0x1  }
0x2: {  	[smem:$0x3F9F] =	sst lr;
	_ =	strace $0xD0000000  }
0x3: {  	_ = 	snop  }
0x4: {  	_ = 	snop  }
0x5: {  	_ = 	snop  }
0x6: {  	_ = 	snop  }
0x7: {  	_ = 	snop  }
__scs_overlays_trampoline_lowered:
0x8: {  	[smem:$0x3FAE] =	sst s0  }
0x9: {  	[smem:$0x3FAF] =	sst s1  }
0xa: {  	[smem:$0x3FB0] =	sst s2  }
0xb: {  	[smem:$0x3FB1] =	sst s3  }
0xc: {  	[smem:$0x3FB2] =	sst s4  }
0xd: {  	[smem:$0x3FB3] =	sst s5  }
0xe: {  	[smem:$0x3FB4] =	sst s6  }
0xf: {  	[smem:$0x3FB5] =	sst s7  }
0x10: {  	[smem:$0x3FB6] =	sst s8  }
0x11: {  	[smem:$0x3FB7] =	sst s9;
	s0 =	simm.s32 @!p0 $0x0  }
0x12: {  	s1 =	sld [smem:$0x3F9D];
	s0 =	simm.s32 @p0 $0x1  }
0x13: {  	[smem:$0x3FB8] =	sst s0;
	s0 =	simm.s32 @!p1 $0x0  }
0x14: {  	s2 =	sld [smem:$0x3F9C];
	s0 =	simm.s32 @p1 $0x1  }
0x15: {  	[smem:$0x3FB9] =	sst s0;
	s0 =	simm.s32 @!p2 $0x0  }
0x16: {  	s3 =	sld [smem:$0x3FDB];
	s0 =	simm.s32 @p2 $0x1  }
0x17: {  	s4 =	simm.s32 $0x1BF5;
	[smem:$0x3FBB] =	sst s0  }
0x18: {  	s0 =	sld [smem:$0x3F9E];
	_ =	swait.ge [sflag:s4], $0x0  }
0x19: {  	s7 =	sld [smem:$0x3F9F]  }
0x1a: {  	s8 =	sadd.s32 $0xFFFFE003, lr  }
0x1b: {  	s9 =	sadd.s32 $0xFFFFFEF7, lr;
	s5 =	simm.s32 $0xFFFFFFFF;
	p2 =	slt.u32 s8, $0xFFFFF086  }
0x1c: {  	p1 =	slt.u32 s9, $0xF7A;
	s5 =	simm.s32 @!p2 $0x0  }
0x1d: {  	s5 =	simm.s32 @p1 $0x1;
	p0 =	seq.s32 s7, s2  }
0x1e: {  	s7 =	smul.u32 @!p0 $0xF7A, s2;
	p2 =	seq.s32 @!p0 s5, $0x0  }
0x1f: {  	s9 =	smul.u32 $0xF7A, s1;
	s8 =	simm.s32 @!p0 $0x1BF5;
	p2 =	por !p2, p0  }
0x20: {  	[sflag:s8] =	ssyncset.s32 @!p0 $0xFFFFF086;
	s6 =	sadd.s32 @!p0 s3, s7;
	s7 =	simm.s32 @!p0 $0x108  }
0x21: {  	s3 =	sadd.s32 s3, s9;
	s6 =	sadd.s32 @!p0 $0x88, s6;
	s7 =	simm.s32 @p2 $0x1082  }
0x22: {  	[simem:s7], [sflag:s8] =	dma.local @!p0 [hbm:s6], $0xF7A  }
0x23: {  	s9 =	sor.u32 $0xD0000000, s2;
	s6 =	simm.s32 $0x108;
	_ =	swait.ge @!p0 [sflag:s8], $0x0  }
0x24: {  	s3 =	sadd.s32 $0x88, s3;
	s6 =	simm.s32 @!p1 $0x1082;
	[sflag:s4] =	ssyncset.s32 $0xFFFFF086  }
0x25: {  	[simem:s6], [sflag:s4] =	dma.local [hbm:s3], $0xF7A  }
0x26: {  	[smem:$0x3F9F] =	sst s1;
	(tag) =	ssettag s2;
	_ =	strace s9  }
0x27: {  	s1 =	sld [smem:$0x3FAF]  }
0x28: {  	s2 =	sld [smem:$0x3FB0]  }
0x29: {  	s4 =	sld [smem:$0x3FB2]  }
0x2a: {  	p0 =	seq.s32 s5, $0x0;
	s5 =	sld [smem:$0x3FB3]  }
0x2b: {  	s6 =	sld [smem:$0x3FB4]  }
0x2c: {  	s7 =	sld [smem:$0x3FB5]  }
0x2d: {  	s3 =	simm.s32 $0x108;
	s8 =	sld [smem:$0x3FB6]  }
0x2e: {  	s3 =	simm.s32 @!p0 $0x1082;
	s9 =	sld [smem:$0x3FB7]  }
0x2f: {  	lr =	sadd.s32 s0, s3;
	s0 =	sld [smem:$0x3FAE]  }
0x30: {  	s3 =	sld [smem:$0x3FB1]  }
0x31: {  	[smem:$0x3FBA] =	sst s10  }
0x32: {  	s10 =	sld [smem:$0x3FB8];
	_ =	sdelay $0x3  }
0x33: {  	p0 =	seq.s32 s10, $0x1;
	s10 =	sld [smem:$0x3FBA];
	_ =	sdelay $0x3  }
0x34: {  	[smem:$0x3FBA] =	sst s10  }
0x35: {  	s10 =	sld [smem:$0x3FB9];
	_ =	sdelay $0x3  }
0x36: {  	p1 =	seq.s32 s10, $0x1;
	s10 =	sld [smem:$0x3FBA];
	_ =	sdelay $0x3  }
0x37: {  	[smem:$0x3FBA] =	sst s10  }
0x38: {  	s10 =	sld [smem:$0x3FBB]  }
0x39: {  	_ = 	snop;
	(pc) =	sbr.ind lr, $3  }
0x3a: {  	_ = 	snop  }
0x3b: {  	_ = 	snop  }
0x3c: {  	p2 =	seq.s32 s10, $0x1;
	s10 =	sld [smem:$0x3FBA]  }
0x3d: {  	_ =	shalt  }
0x3e: {  	_ =	shalt  }
0x3f: {  	_ =	shalt  }
0x40: {  	_ =	shalt  }
0x41: {  	_ =	shalt  }
0x42: {  	_ =	shalt  }
0x43: {  	_ =	shalt  }
0x44: {  	_ =	shalt  }
0x45: {  	_ =	shalt  }
0x46: {  	_ =	shalt  }
0x47: {  	_ =	shalt  }
0x48: {  	_ =	shalt  }
0x49: {  	_ =	shalt  }
0x4a: {  	_ =	shalt  }
0x4b: {  	_ =	shalt  }
0x4c: {  	_ =	shalt  }
0x4d: {  	_ =	shalt  }
0x4e: {  	_ =	shalt  }
0x4f: {  	_ =	shalt  }
0x50: {  	_ =	shalt  }
0x51: {  	_ =	shalt  }
0x52: {  	_ =	shalt  }
0x53: {  	_ =	shalt  }
0x54: {  	_ =	shalt  }
0x55: {  	_ =	shalt  }
0x56: {  	_ =	shalt  }
0x57: {  	_ =	shalt  }
0x58: {  	_ =	shalt  }
0x59: {  	_ =	shalt  }
0x5a: {  	_ =	shalt  }
0x5b: {  	_ =	shalt  }
0x5c: {  	_ =	shalt  }
0x5d: {  	_ =	shalt  }
0x5e: {  	_ =	shalt  }
0x5f: {  	_ =	shalt  }
0x60: {  	_ =	shalt  }
0x61: {  	_ =	shalt  }
0x62: {  	_ =	shalt  }
0x63: {  	_ =	shalt  }
0x64: {  	_ =	shalt  }
0x65: {  	_ =	shalt  }
0x66: {  	_ =	shalt  }
0x67: {  	_ =	shalt  }
0x68: {  	_ =	shalt  }
0x69: {  	_ =	shalt  }
0x6a: {  	_ =	shalt  }
0x6b: {  	_ =	shalt  }
0x6c: {  	_ =	shalt  }
0x6d: {  	_ =	shalt  }
0x6e: {  	_ =	shalt  }
0x6f: {  	_ =	shalt  }
0x70: {  	_ =	shalt  }
0x71: {  	_ =	shalt  }
0x72: {  	_ =	shalt  }
0x73: {  	_ =	shalt  }
0x74: {  	_ =	shalt  }
0x75: {  	_ =	shalt  }
0x76: {  	_ =	shalt  }
0x77: {  	_ =	shalt  }
0x78: {  	_ =	shalt  }
0x79: {  	_ =	shalt  }
0x7a: {  	_ =	shalt  }
0x7b: {  	_ =	shalt  }
0x7c: {  	_ =	shalt  }
0x7d: {  	_ =	shalt  }
0x7e: {  	_ =	shalt  }
0x7f: {  	_ =	shalt  }
0x80: {  	_ =	shalt  }
0x81: {  	_ =	shalt  }
0x82: {  	_ =	shalt  }
0x83: {  	_ =	shalt  }
0x84: {  	_ =	shalt  }
0x85: {  	_ =	shalt  }
0x86: {  	_ =	shalt  }
0x87: {  	_ =	shalt  }
.Lfunc_end0:
.L_simem_size_0:
called_computation_lowered:
.L_overlay_start_0:
0x88: {  	s2 =	sld [smem:$0x3FD9]  }
0x89: {  	s3 =	sld [smem:$0x3FFE];
	_ =	sdelay $0x1  }
0x8a: {  	s1 =	srdreg.scid  }
0x8b: {  	s0 =	sand.u32 $0x1, s1  }
0x8c: {  	s14 =	sshll.u32 s0, $0xA;
	s2 =	sadd.s32 s3, s2  }
0x8d: {  	s2 =	sadd.s32 s2, s14  }
0x8e: {  	[smem:$0x3FC6] =	sst s2  }
0x8f: {  	_ = 	snop  }
0x90: {  	s2 =	sld [smem:$0x3FD0];
	_ =	sdelay $0x2  }
0x91: {  	s15 =	simm.s32 $0xA;
	s4 =	simm.s32 $0x10  }
0x92: {  	[smem:s4], [sflag:s15] =	dma.local [hbm:s2], $0x1  }
0x93: {  	_ =	swait.eq [sflag:s15], $0x1  }
0x94: {  	[sflag:s15] =	ssyncset.done $0x0  }
0x95: {  	s16 =	sld [smem:$0x14];
	[sflag:s15] =	ssyncadd.s32 $0xFFFFFFFF  }
0x96: {  	s17 =	sld [smem:$0x15];
	(tm) =	ssettm $0x1  }
0x97: {  	s18 =	sld [smem:$0x3FFB];
	_ =	sdelay $0x3  }
0x98: {  	_ =	strace s18  }
0x99: {  	s4 =	sld [smem:$0x3FFC];
	_ =	sdelay $0x3  }
0x9a: {  	_ =	strace s4  }
0x9b: {  	s4 =	sld [smem:$0x3FFD];
	_ =	sdelay $0x3  }
0x9c: {  	_ =	strace s4  }
0x9d: {  	_ =	strace $0x8FFFFFFF  }
0x9e: {  	s19 =	sld [smem:$0x3FDB];
	_ =	sdelay $0x1  }
0x9f: {  	s5 =	simm.s32 $_scs_section_size  }
0xa0: {  	s6 =	simm.s32 $_size__tile_overlayer_lowered;
	s7 =	simm.s32 $_tile_overlayer_lowered  }
0xa1: {  	s22 =	simm.s32 $0x1BFF;
	s21 =	sshll.u32 s7, $0x1;
	s4 =	sadd.s32 s5, s19  }
0xa2: {  	s8 =	simm.s32 $0x0;
	s20 =	sshll.u32 s6, $0x1;
	s6 =	sadd.s32 s21, s4  }
0xa3: {  	[timem:s8], [sflag:s22] =	dma.local [hbm:s6], s20  }
0xa4: {  	_ =	swait.ge [sflag:s22], s20  }
0xa5: {  	s5 =	ssub.s32 $0x0, s20;
	[sflag:s22] =	ssyncset.done $0x0  }
0xa6: {  	[sflag:s22] =	ssyncadd.s32 s5;
	_ =	sdelay $0x1  }
0xa7: {  	s23 =	simm.s32 $0x1B8B  }
0xa8: {  	_ =	swait.ge [sflag:s23], $0x1  }
0xa9: {  	[sflag:s23] =	ssyncset.done $0x0  }
0xaa: {  	s25 =	simm.s32 $0x1B8E;
	s24 =	sld [smem:$0x3FFE];
	[sflag:s23] =	ssyncadd.s32 $0xFFFFFFFF  }
0xab: {  	s26 =	simm.s32 $execute0_lowered;
	[smem:$0x3FD2] =	sst s25  }
0xac: {  	s6 =	sshll.u32 s26, $0x1;
	_ =	strace $0x80000046;
	[dreg:$0x1] =	wrdreg $0xFFFFFFFF  }
0xad: {  	s28 =	simm.s32 $_size_execute0_lowered;
	s4 =	sadd.s32 s4, s6;
	[dreg:$0x0] =	wrdreg $0x0  }
0xae: {  	s6 =	sshll.u32 s28, $0x1;
	[dreg:$0x2] =	wrdreg s4  }
0xaf: {  	[dreg:$0x3] =	wrdreg s6  }
0xb0: {  	[dreg:$0x4] =	wrdreg $0xC0  }
0xb1: {  	_ =	task [dreg:s8], $0x5FFFF  }
0xb2: {  	[dreg:$0x1] =	wrdreg $0xFFFFFFFF  }
0xb3: {  	[dreg:$0x0] =	wrdreg $0x60  }
0xb4: {  	[dreg:$0x2] =	wrdreg s16  }
0xb5: {  	[dreg:$0x3] =	wrdreg s17  }
0xb6: {  	[dreg:$0x4] =	wrdreg s24  }
0xb7: {  	[dreg:$0x5] =	wrdreg $0x9  }
0xb8: {  	_ =	task.clear_ibuf [dreg:s8], $0x6FFFF;
	_ =	strace $0x90000046  }
0xb9: {  	s29 =	simm.s32 $0x9;
	_ =	strace $0x80000048  }
0xba: {  	_ =	swait.ge [sflag:s29], $0x1  }
0xbb: {  	[sflag:s29] =	ssyncadd.s32 $0xFFFFFFFF  }
0xbc: {  	_ =	strace $0x90000048  }
0xbd: {  	_ =	sfence  }
0xbe: {  	s30 =	sld [smem:$0x0];
	_ =	sdelay $0x2  }
0xbf: {  	s31 =	sshll.u32 s1, $0xD;
	s1 =	sshrl.u32 s1, $0x2  }
0xc0: {  	s3 =	sand.u32 $0x4000, s31;
	s1 =	sadd.s32 s1, s30  }
0xc1: {  	s0 =	sor.u32 s3, s0;
	s1 =	sshll.u32 s1, $0x11  }
0xc2: {  	s0 =	sor.u32 s1, s0  }
0xc3: {  	s0 =	sadd.s32 $0x8F2B, s0  }
0xc4: {  	[sflag:s0] =	ssyncadd.remote.s32 $0x1  }
0xc5: {  	_ =	sfence.sel $0xFFFF  }
0xc6: {  	[dreg:$0x0] =	wrdreg $0xFFFFFFFF;
	(pc) =	sbr.abs _section_cstart, $3  }
0xc7: {  	[dreg:$0x1] =	wrdreg $0xFFFFFFFF  }
0xc8: {  	_ =	task.clear_ibuf [dreg:s8], $0x2FFFF;
	_ =	strace $0x9FFFFFFF  }
0xc9: {  	(tm) =	ssettm $0x7FFFFFFF  }
tec
execute0_lowered:
.L_overlay_start_1:
0x0: {  	(tag) =	ssettag $0x1  }
0x1: {  	s6 =	rddreg [dreg:$0x0]  }
0x2: {  	s1 =	srdreg.scid;
	s3 =	rddreg [dreg:$0x1]  }
0x3: {  	s0 =	stileid.u32;
	s4 =	rddreg [dreg:$0x2];
	s8 =	simm.s32 $0x80  }
0x4: {  	s9 =	simm.s32 $0x2600;
	s10 =	simm.s32 $0x100;
	s11 =	simm.s32 $0x4600  }
0x5: {  	s12 =	simm.s32 $0x180;
	s13 =	simm.s32 $0x6600;
	s14 =	simm.s32 $0x200  }
0x6: {  	s15 =	simm.s32 $0x8600;
	s16 =	simm.s32 $0x280;
	s17 =	simm.s32 $0xA600  }
0x7: {  	s18 =	simm.s32 $0x300;
	s19 =	simm.s32 $0xC600;
	s20 =	simm.s32 $0x380  }
0x8: {  	s21 =	simm.s32 $0xE600;
	s1 =	sand.u32 $0x1, s1;
	s2 =	sshll.u32 s0, $0x1  }
0x9: {  	s22 =	simm.s32 $0x400;
	s5 =	sor.u32 s1, s2;
	s1 =	ssub.s32 $0x2, s1  }
0xa: {  	s23 =	simm.s32 $0x10600;
	s24 =	simm.s32 $0x480;
	s26 =	sshrl.u32 s1, $0x1  }
0xb: {  	s25 =	simm.s32 $0x12600;
	p0 =	por $0x0, $0x0;
	s1 =	ssub.s32 s1, s26  }
0xc: {  	s28 =	simm.s32 $0x14600;
	s7 =	smul.u32 $0x3000, s5;
	s1 =	smax.u32 s1, $0x1  }
0xd: {  	s2 =	simm.s32 $0x0;
	s5 =	smul.u32 $0xC0, s5;
	p1 =	sne.s32 s1, $0x1  }
.Ltmp0:
0xe: {  	s29 =	simm.s32 $0x580;
	[smem:$0x7FF] =	sst s2;
	(pc) =	sbr.rel @!p1 .LBB2_3-.Ltmp0, $4  }
0xf: {  	s30 =	simm.s32 $0x16600;
	_ =	strace $0x80000047;
	s26 =	simm.s32 $0x500  }
0x10: {  	s4 =	sadd.s32 s7, s4;
	s3 =	sadd.s32 s3, s5;
	s5 =	simm.s32 $0x600  }
0x11: {  	s7 =	simm.s32 $0x1;
	[dreg:$0x4] =	wrdreg s3;
	s4 =	sadd.s32 $0x600, s4  }
0x12: {  	s3 =	simm.s32 $0x2;
	s31 =	sadd.s32 $0xFFFFFFFF, s1;
	s1 =	rddreg [dreg:$0x4]  }
0x13: {  	[tilespmem:s2], [sflag:$0x2] =	stream.linear.gather [hbm4b:s1+s2], $0x600, $0x38;
	[tilespmem:$0x18600] =	vst v63  }
0x14: {  	_ =	swait.ge [sflag:s3], $0x600  }
0x15: {  	[sflag:s3] =	ssyncset.done $0x0  }
0x16: {  	[sflag:s3] =	ssyncadd.s32 $0xFFFFFA00  }
0x17: {  	[tilespmem:s5], [sflag:$0x1] =	stream.indirect.gather [hbm4b:s6+s8], $0x40, s2, s8, $0xb8;
	[tilespmem:$0x18600] =	vst v63  }
0x18: {  	_ = 	snop  }
0x19: {  	[tilespmem:s9], [sflag:$0x1] =	stream.indirect.gather [hbm4b:s6+s8], $0x40, s8, s8, $0xb8;
	[tilespmem:$0x18600] =	vst v63  }
0x1a: {  	_ = 	snop  }
0x1b: {  	[tilespmem:s11], [sflag:$0x1] =	stream.indirect.gather [hbm4b:s6+s8], $0x40, s10, s8, $0xb8;
	[tilespmem:$0x18600] =	vst v63  }
0x1c: {  	_ = 	snop  }
0x1d: {  	[tilespmem:s13], [sflag:$0x1] =	stream.indirect.gather [hbm4b:s6+s8], $0x40, s12, s8, $0xb8;
	[tilespmem:$0x18600] =	vst v63  }
0x1e: {  	_ = 	snop  }
0x1f: {  	[tilespmem:s15], [sflag:$0x1] =	stream.indirect.gather [hbm4b:s6+s8], $0x40, s14, s8, $0xb8;
	[tilespmem:$0x18600] =	vst v63  }
0x20: {  	_ = 	snop  }
0x21: {  	[tilespmem:s17], [sflag:$0x1] =	stream.indirect.gather [hbm4b:s6+s8], $0x40, s16, s8, $0xb8;
	[tilespmem:$0x18600] =	vst v63  }
0x22: {  	_ = 	snop  }
0x23: {  	[tilespmem:s19], [sflag:$0x1] =	stream.indirect.gather [hbm4b:s6+s8], $0x40, s18, s8, $0xb8;
	[tilespmem:$0x18600] =	vst v63  }
0x24: {  	_ = 	snop  }
0x25: {  	[tilespmem:s21], [sflag:$0x1] =	stream.indirect.gather [hbm4b:s6+s8], $0x40, s20, s8, $0xb8;
	[tilespmem:$0x18600] =	vst v63  }
0x26: {  	_ = 	snop  }
0x27: {  	[tilespmem:s23], [sflag:$0x1] =	stream.indirect.gather [hbm4b:s6+s8], $0x40, s22, s8, $0xb8;
	[tilespmem:$0x18600] =	vst v63  }
0x28: {  	_ = 	snop  }
0x29: {  	[tilespmem:s25], [sflag:$0x1] =	stream.indirect.gather [hbm4b:s6+s8], $0x40, s24, s8, $0xb8;
	[tilespmem:$0x18600] =	vst v63  }
0x2a: {  	_ = 	snop  }
0x2b: {  	[tilespmem:s28], [sflag:$0x1] =	stream.indirect.gather [hbm4b:s6+s8], $0x40, s26, s8, $0xb8;
	[tilespmem:$0x18600] =	vst v63  }
0x2c: {  	_ = 	snop  }
0x2d: {  	[tilespmem:s30], [sflag:$0x1] =	stream.indirect.gather [hbm4b:s6+s8], $0x40, s29, s8, $0xb8;
	[tilespmem:$0x18600] =	vst v63  }
0x2e: {  	_ =	swait.ge [sflag:s7], $0x2000  }
0x2f: {  	[sflag:s7] =	ssyncset.done $0x0  }
0x30: {  	[sflag:s7] =	ssyncadd.s32 $0xFFFFE000  }
0x31: {  	_ =	swait.ge [sflag:s7], $0x2000  }
0x32: {  	[sflag:s7] =	ssyncset.done $0x0  }
0x33: {  	[sflag:s7] =	ssyncadd.s32 $0xFFFFE000  }
0x34: {  	_ =	swait.ge [sflag:s7], $0x2000  }
0x35: {  	[sflag:s7] =	ssyncset.done $0x0  }
0x36: {  	[sflag:s7] =	ssyncadd.s32 $0xFFFFE000  }
0x37: {  	_ =	swait.ge [sflag:s7], $0x2000  }
0x38: {  	[sflag:s7] =	ssyncset.done $0x0  }
0x39: {  	[sflag:s7] =	ssyncadd.s32 $0xFFFFE000  }
0x3a: {  	_ =	swait.ge [sflag:s7], $0x2000  }
0x3b: {  	[sflag:s7] =	ssyncset.done $0x0  }
0x3c: {  	[sflag:s7] =	ssyncadd.s32 $0xFFFFE000  }
0x3d: {  	_ =	swait.ge [sflag:s7], $0x2000  }
0x3e: {  	[sflag:s7] =	ssyncset.done $0x0  }
0x3f: {  	[sflag:s7] =	ssyncadd.s32 $0xFFFFE000  }
0x40: {  	_ =	swait.ge [sflag:s7], $0x2000  }
0x41: {  	[sflag:s7] =	ssyncset.done $0x0  }
0x42: {  	[sflag:s7] =	ssyncadd.s32 $0xFFFFE000  }
0x43: {  	_ =	swait.ge [sflag:s7], $0x2000  }
0x44: {  	[sflag:s7] =	ssyncset.done $0x0  }
0x45: {  	[sflag:s7] =	ssyncadd.s32 $0xFFFFE000  }
0x46: {  	_ =	swait.ge [sflag:s7], $0x2000  }
0x47: {  	[sflag:s7] =	ssyncset.done $0x0  }
0x48: {  	[sflag:s7] =	ssyncadd.s32 $0xFFFFE000  }
0x49: {  	_ =	swait.ge [sflag:s7], $0x2000  }
0x4a: {  	[sflag:s7] =	ssyncset.done $0x0  }
0x4b: {  	[sflag:s7] =	ssyncadd.s32 $0xFFFFE000  }
0x4c: {  	_ =	swait.ge [sflag:s7], $0x2000  }
0x4d: {  	[sflag:s7] =	ssyncset.done $0x0  }
0x4e: {  	[sflag:s7] =	ssyncadd.s32 $0xFFFFE000  }
0x4f: {  	p1 =	sne.s32 s31, $0x1;
	_ =	swait.ge [sflag:s7], $0x2000  }
.Ltmp1:
0x50: {  	[sflag:s7] =	ssyncset.done $0x0;
	(pc) =	sbr.rel @!p1 .LBB2_3-.Ltmp1, $4  }
0x51: {  	[sflag:s7] =	ssyncadd.s32 $0xFFFFE000  }
0x52: {  	[hbm4b:s4+s2] =	stream.linear.scatter [tilespmem:s5], [sflag:$0x2], $0x18000, $0x38;
	[tilespmem:$0x18600] =	vst v63  }
0x53: {  	s31 =	sadd.s32 $0xFFFFFFFF, s31;
	_ =	swait.ge [sflag:s3], $0x18000  }
0x54: {  	p0 =	por $0x1, $0x1;
	s1 =	rddreg [dreg:$0x4];
	[sflag:s3] =	ssyncset.done $0x0  }
.LBB2_2:
0x55: {  	[sflag:s3] =	ssyncadd.s32 $0xFFFE8000  }
0x56: {  	[tilespmem:s2], [sflag:$0x2] =	stream.linear.gather [hbm4b:s1+s2], $0x600, $0x38;
	[tilespmem:$0x18600] =	vst v63  }
0x57: {  	_ =	swait.ge [sflag:s3], $0x600  }
0x58: {  	[sflag:s3] =	ssyncset.done $0x0  }
0x59: {  	[sflag:s3] =	ssyncadd.s32 $0xFFFFFA00  }
0x5a: {  	[tilespmem:s5], [sflag:$0x1] =	stream.indirect.gather [hbm4b:s6+s8], $0x40, s2, s8, $0xb8;
	[tilespmem:$0x18600] =	vst v63  }
0x5b: {  	_ = 	snop  }
0x5c: {  	[tilespmem:s9], [sflag:$0x1] =	stream.indirect.gather [hbm4b:s6+s8], $0x40, s8, s8, $0xb8;
	[tilespmem:$0x18600] =	vst v63  }
0x5d: {  	_ = 	snop  }
0x5e: {  	[tilespmem:s11], [sflag:$0x1] =	stream.indirect.gather [hbm4b:s6+s8], $0x40, s10, s8, $0xb8;
	[tilespmem:$0x18600] =	vst v63  }
0x5f: {  	_ = 	snop  }
0x60: {  	[tilespmem:s13], [sflag:$0x1] =	stream.indirect.gather [hbm4b:s6+s8], $0x40, s12, s8, $0xb8;
	[tilespmem:$0x18600] =	vst v63  }
0x61: {  	_ = 	snop  }
0x62: {  	[tilespmem:s15], [sflag:$0x1] =	stream.indirect.gather [hbm4b:s6+s8], $0x40, s14, s8, $0xb8;
	[tilespmem:$0x18600] =	vst v63  }
0x63: {  	_ = 	snop  }
0x64: {  	[tilespmem:s17], [sflag:$0x1] =	stream.indirect.gather [hbm4b:s6+s8], $0x40, s16, s8, $0xb8;
	[tilespmem:$0x18600] =	vst v63  }
0x65: {  	_ = 	snop  }
0x66: {  	[tilespmem:s19], [sflag:$0x1] =	stream.indirect.gather [hbm4b:s6+s8], $0x40, s18, s8, $0xb8;
	[tilespmem:$0x18600] =	vst v63  }
0x67: {  	_ = 	snop  }
0x68: {  	[tilespmem:s21], [sflag:$0x1] =	stream.indirect.gather [hbm4b:s6+s8], $0x40, s20, s8, $0xb8;
	[tilespmem:$0x18600] =	vst v63  }
0x69: {  	_ = 	snop  }
0x6a: {  	[tilespmem:s23], [sflag:$0x1] =	stream.indirect.gather [hbm4b:s6+s8], $0x40, s22, s8, $0xb8;
	[tilespmem:$0x18600] =	vst v63  }
0x6b: {  	_ = 	snop  }
0x6c: {  	[tilespmem:s25], [sflag:$0x1] =	stream.indirect.gather [hbm4b:s6+s8], $0x40, s24, s8, $0xb8;
	[tilespmem:$0x18600] =	vst v63  }
0x6d: {  	_ = 	snop  }
0x6e: {  	[tilespmem:s28], [sflag:$0x1] =	stream.indirect.gather [hbm4b:s6+s8], $0x40, s26, s8, $0xb8;
	[tilespmem:$0x18600] =	vst v63  }
0x6f: {  	_ = 	snop  }
0x70: {  	[tilespmem:s30], [sflag:$0x1] =	stream.indirect.gather [hbm4b:s6+s8], $0x40, s29, s8, $0xb8;
	[tilespmem:$0x18600] =	vst v63  }
0x71: {  	_ =	swait.ge [sflag:s7], $0x2000  }
0x72: {  	[sflag:s7] =	ssyncset.done $0x0  }
0x73: {  	[sflag:s7] =	ssyncadd.s32 $0xFFFFE000  }
0x74: {  	_ =	swait.ge [sflag:s7], $0x2000  }
0x75: {  	[sflag:s7] =	ssyncset.done $0x0  }
0x76: {  	[sflag:s7] =	ssyncadd.s32 $0xFFFFE000  }
0x77: {  	_ =	swait.ge [sflag:s7], $0x2000  }
0x78: {  	[sflag:s7] =	ssyncset.done $0x0  }
0x79: {  	[sflag:s7] =	ssyncadd.s32 $0xFFFFE000  }
0x7a: {  	_ =	swait.ge [sflag:s7], $0x2000  }
0x7b: {  	[sflag:s7] =	ssyncset.done $0x0  }
0x7c: {  	[sflag:s7] =	ssyncadd.s32 $0xFFFFE000  }
0x7d: {  	_ =	swait.ge [sflag:s7], $0x2000  }
0x7e: {  	[sflag:s7] =	ssyncset.done $0x0  }
0x7f: {  	[sflag:s7] =	ssyncadd.s32 $0xFFFFE000  }
0x80: {  	_ =	swait.ge [sflag:s7], $0x2000  }
0x81: {  	[sflag:s7] =	ssyncset.done $0x0  }
0x82: {  	[sflag:s7] =	ssyncadd.s32 $0xFFFFE000  }
0x83: {  	_ =	swait.ge [sflag:s7], $0x2000  }
0x84: {  	[sflag:s7] =	ssyncset.done $0x0  }
0x85: {  	[sflag:s7] =	ssyncadd.s32 $0xFFFFE000  }
0x86: {  	_ =	swait.ge [sflag:s7], $0x2000  }
0x87: {  	[sflag:s7] =	ssyncset.done $0x0  }
0x88: {  	[sflag:s7] =	ssyncadd.s32 $0xFFFFE000  }
0x89: {  	_ =	swait.ge [sflag:s7], $0x2000  }
0x8a: {  	[sflag:s7] =	ssyncset.done $0x0  }
0x8b: {  	[sflag:s7] =	ssyncadd.s32 $0xFFFFE000  }
0x8c: {  	_ =	swait.ge [sflag:s7], $0x2000  }
0x8d: {  	[sflag:s7] =	ssyncset.done $0x0  }
0x8e: {  	[sflag:s7] =	ssyncadd.s32 $0xFFFFE000  }
0x8f: {  	_ =	swait.ge [sflag:s7], $0x2000  }
0x90: {  	[sflag:s7] =	ssyncset.done $0x0  }
0x91: {  	[sflag:s7] =	ssyncadd.s32 $0xFFFFE000  }
0x92: {  	p1 =	sne.s32 s31, $0x1;
	_ =	swait.ge [sflag:s7], $0x2000  }
.Ltmp2:
0x93: {  	[sflag:s7] =	ssyncset.done $0x0;
	(pc) =	sbr.rel @p1 .LBB2_2-.Ltmp2, $4  }
0x94: {  	[sflag:s7] =	ssyncadd.s32 $0xFFFFE000  }
0x95: {  	[hbm4b:s4+s2] =	stream.linear.scatter [tilespmem:s5], [sflag:$0x2], $0x18000, $0x38;
	[tilespmem:$0x18600] =	vst v63  }
0x96: {  	_ =	swait.ge [sflag:s3], $0x18000  }
0x97: {  	s31 =	sadd.s32 $0xFFFFFFFF, s31;
	s1 =	rddreg [dreg:$0x4];
	[sflag:s3] =	ssyncset.done $0x0  }
.LBB2_3:
0x98: {  	[sflag:s3] =	ssyncadd.s32 @p0 $0xFFFE8000  }
0x99: {  	[tilespmem:s2], [sflag:$0x2] =	stream.linear.gather [hbm4b:s1+s2], $0x600, $0x38;
	[tilespmem:$0x18600] =	vst v63  }
0x9a: {  	_ =	swait.ge [sflag:s3], $0x600  }
0x9b: {  	[sflag:s3] =	ssyncset.done $0x0  }
0x9c: {  	[sflag:s3] =	ssyncadd.s32 $0xFFFFFA00  }
0x9d: {  	[tilespmem:s5], [sflag:$0x1] =	stream.indirect.gather [hbm4b:s6+s8], $0x40, s2, s8, $0xb8;
	[tilespmem:$0x18600] =	vst v63  }
0x9e: {  	_ = 	snop  }
0x9f: {  	[tilespmem:s9], [sflag:$0x1] =	stream.indirect.gather [hbm4b:s6+s8], $0x40, s8, s8, $0xb8;
	[tilespmem:$0x18600] =	vst v63  }
0xa0: {  	_ = 	snop  }
0xa1: {  	[tilespmem:s11], [sflag:$0x1] =	stream.indirect.gather [hbm4b:s6+s8], $0x40, s10, s8, $0xb8;
	[tilespmem:$0x18600] =	vst v63  }
0xa2: {  	_ = 	snop  }
0xa3: {  	[tilespmem:s13], [sflag:$0x1] =	stream.indirect.gather [hbm4b:s6+s8], $0x40, s12, s8, $0xb8;
	[tilespmem:$0x18600] =	vst v63  }
0xa4: {  	_ = 	snop  }
0xa5: {  	[tilespmem:s15], [sflag:$0x1] =	stream.indirect.gather [hbm4b:s6+s8], $0x40, s14, s8, $0xb8;
	[tilespmem:$0x18600] =	vst v63  }
0xa6: {  	_ = 	snop  }
0xa7: {  	[tilespmem:s17], [sflag:$0x1] =	stream.indirect.gather [hbm4b:s6+s8], $0x40, s16, s8, $0xb8;
	[tilespmem:$0x18600] =	vst v63  }
0xa8: {  	_ = 	snop  }
0xa9: {  	[tilespmem:s19], [sflag:$0x1] =	stream.indirect.gather [hbm4b:s6+s8], $0x40, s18, s8, $0xb8;
	[tilespmem:$0x18600] =	vst v63  }
0xaa: {  	_ = 	snop  }
0xab: {  	[tilespmem:s21], [sflag:$0x1] =	stream.indirect.gather [hbm4b:s6+s8], $0x40, s20, s8, $0xb8;
	[tilespmem:$0x18600] =	vst v63  }
0xac: {  	_ = 	snop  }
0xad: {  	[tilespmem:s23], [sflag:$0x1] =	stream.indirect.gather [hbm4b:s6+s8], $0x40, s22, s8, $0xb8;
	[tilespmem:$0x18600] =	vst v63  }
0xae: {  	_ = 	snop  }
0xaf: {  	[tilespmem:s25], [sflag:$0x1] =	stream.indirect.gather [hbm4b:s6+s8], $0x40, s24, s8, $0xb8;
	[tilespmem:$0x18600] =	vst v63  }
0xb0: {  	_ = 	snop  }
0xb1: {  	[tilespmem:s28], [sflag:$0x1] =	stream.indirect.gather [hbm4b:s6+s8], $0x40, s26, s8, $0xb8;
	[tilespmem:$0x18600] =	vst v63  }
0xb2: {  	_ = 	snop  }
0xb3: {  	[tilespmem:s30], [sflag:$0x1] =	stream.indirect.gather [hbm4b:s6+s8], $0x40, s29, s8, $0xb8;
	[tilespmem:$0x18600] =	vst v63  }
0xb4: {  	_ =	swait.ge [sflag:s7], $0x2000  }
0xb5: {  	[sflag:s7] =	ssyncset.done $0x0  }
0xb6: {  	[sflag:s7] =	ssyncadd.s32 $0xFFFFE000  }
0xb7: {  	_ =	swait.ge [sflag:s7], $0x2000  }
0xb8: {  	[sflag:s7] =	ssyncset.done $0x0  }
0xb9: {  	[sflag:s7] =	ssyncadd.s32 $0xFFFFE000  }
0xba: {  	_ =	swait.ge [sflag:s7], $0x2000  }
0xbb: {  	[sflag:s7] =	ssyncset.done $0x0  }
0xbc: {  	[sflag:s7] =	ssyncadd.s32 $0xFFFFE000  }
0xbd: {  	_ =	swait.ge [sflag:s7], $0x2000  }
0xbe: {  	[sflag:s7] =	ssyncset.done $0x0  }
0xbf: {  	[sflag:s7] =	ssyncadd.s32 $0xFFFFE000  }
0xc0: {  	_ =	swait.ge [sflag:s7], $0x2000  }
0xc1: {  	[sflag:s7] =	ssyncset.done $0x0  }
0xc2: {  	[sflag:s7] =	ssyncadd.s32 $0xFFFFE000  }
0xc3: {  	_ =	swait.ge [sflag:s7], $0x2000  }
0xc4: {  	[sflag:s7] =	ssyncset.done $0x0  }
0xc5: {  	[sflag:s7] =	ssyncadd.s32 $0xFFFFE000  }
0xc6: {  	_ =	swait.ge [sflag:s7], $0x2000  }
0xc7: {  	[sflag:s7] =	ssyncset.done $0x0  }
0xc8: {  	[sflag:s7] =	ssyncadd.s32 $0xFFFFE000  }
0xc9: {  	_ =	swait.ge [sflag:s7], $0x2000  }
0xca: {  	[sflag:s7] =	ssyncset.done $0x0  }
0xcb: {  	[sflag:s7] =	ssyncadd.s32 $0xFFFFE000  }
0xcc: {  	_ =	swait.ge [sflag:s7], $0x2000  }
0xcd: {  	[sflag:s7] =	ssyncset.done $0x0  }
0xce: {  	[sflag:s7] =	ssyncadd.s32 $0xFFFFE000  }
0xcf: {  	_ =	swait.ge [sflag:s7], $0x2000  }
0xd0: {  	[sflag:s7] =	ssyncset.done $0x0  }
0xd1: {  	[sflag:s7] =	ssyncadd.s32 $0xFFFFE000  }
0xd2: {  	_ =	swait.ge [sflag:s7], $0x2000  }
0xd3: {  	[sflag:s7] =	ssyncset.done $0x0  }
0xd4: {  	[sflag:s7] =	ssyncadd.s32 $0xFFFFE000  }
0xd5: {  	_ =	swait.ge [sflag:s7], $0x2000  }
0xd6: {  	[sflag:s7] =	ssyncset.done $0x0  }
0xd7: {  	[sflag:s7] =	ssyncadd.s32 $0xFFFFE000  }
0xd8: {  	[hbm4b:s4+s2] =	stream.linear.scatter [tilespmem:s5], [sflag:$0x2], $0x18000, $0x38;
	[tilespmem:$0x18600] =	vst v63  }
0xd9: {  	_ =	swait.ge [sflag:s3], $0x18000  }
0xda: {  	[sflag:s3] =	ssyncset.done $0x0  }
0xdb: {  	[sflag:s3] =	ssyncadd.s32 $0xFFFE8000  }
0xdc: {  	_ =	sfence.sel $0x180000  }
0xdd: {  	[bflag:$0x0] =	sbarrier.arrive $0xFFFF  }
0xde: {  	_ =	strace $0x90000047  }
0xdf: {  	[bflag:$0x2] =	sbarrier.arrive $0xFFFF  }
0xe0: {  	p0 =	sne.s32 s0, $0x0;
	s0 =	rddreg [dreg:$0x3]  }
0xe1: {  	s0 =	sadd.s32 @!p0 $0x100000, s0  }
0xe2: {  	[sflag:s0] =	ssyncadd.tile.s32 @!p0 $0x1;
	_ =	shalt  }
.Lfunc_end2:
_tile_overlayer_lowered:
.L_overlay_start_2:
0xe3: {  	(tag) =	ssettag $0x2  }
0xe4: {  	s0 =	rddreg [dreg:$0x0];
	s2 =	stileid.u32  }
0xe5: {  	s1 =	rddreg [dreg:$0x1];
	p0 =	sne.s32 s2, $0x0  }
0xe6: {  	s3 =	rddreg [dreg:$0x2];
	[bflag:$0x3] =	sbarrier.arrive $0xFFFF;
	s2 =	simm.s32 @!p0 $0x1C02  }
0xe7: {  	[timem:s3], [sflag:s2] =	dma.local @!p0 [hbm:s0], s1  }
0xe8: {  	s0 =	simm.s32 @!p0 $0x2  }
0xe9: {  	_ =	swait.ge @!p0 [sflag:s0], s1  }
0xea: {  	s1 =	ssub.s32 @!p0 $0x0, s1;
	[sflag:s0] =	ssyncset.done @!p0 $0x0  }
0xeb: {  	[sflag:s0] =	ssyncadd.s32 @!p0 s1  }
0xec: {  	[bflag:$0x3] =	sbarrier.arrive $0xFFFF  }
0xed: {  	_ =	shalt  }

</sc_bundles>
